<compile_context>
chip_gen: v7x
topology: tpu7x:2x2x1
jax: 0.10.2.dev20260603
libtpu: 0.0.44.dev20260713+nightly
codegen_flags: <defaults>
</compile_context>

<pallas_src>
import functools

import jax
import jax.numpy as jnp
from jax import lax
from jax.experimental import pallas as pl
from jax.experimental.pallas import tpu as pltpu
from jax.experimental.pallas import tpu_sc as plsc

D_ROWS = 64
SIZE = 1_000_000
NC, NS, L = 2, 16, 16
NW = NC * NS

W = 512
NWIN = 36
TSPAN = W * NWIN
SC_COLS = NW * TSPAN

BC = 8192
BOFF = SC_COLS // BC
NBLK = 51
TC_PAD = BOFF * BC + NBLK * BC - SIZE

_mesh = plsc.VectorSubcoreMesh(core_axis_name="c", subcore_axis_name="s")


@functools.partial(
    pl.kernel,
    out_type=jax.ShapeDtypeStruct((SC_COLS,), jnp.float32),
    mesh=_mesh,
    scratch_types=[
        pltpu.VMEM((D_ROWS, W), jnp.float32),
        pltpu.VMEM((D_ROWS, W), jnp.float32),
        pltpu.VMEM((W,), jnp.int32),
        pltpu.VMEM((W,), jnp.int32),
        pltpu.VMEM((W,), jnp.float32),
        pltpu.VMEM((W,), jnp.float32),
        pltpu.VMEM((W,), jnp.float32),
        pltpu.VMEM((W,), jnp.float32),
        pltpu.VMEM((L,), jnp.int32),
        pltpu.SemaphoreType.DMA,
        pltpu.SemaphoreType.DMA,
    ],
)
def _sc_delay_gather(buf_hbm, delays_hbm, spikes_hbm, ptr_hbm, out_hbm,
                     blkA, blkB, dvA, dvB, svA, svB, ovA, ovB,
                     pv, sem_in, sem_out):
    blk = (blkA, blkB)
    dv = (dvA, dvB)
    sv = (svA, svB)
    ov = (ovA, ovB)
    wid = lax.axis_index("s") * NC + lax.axis_index("c")
    tbase = wid * TSPAN
    pltpu.sync_copy(ptr_hbm, pv)
    ptr_v = pv[...]
    p1 = ptr_v + 1
    ptr_mod = ptr_v & (D_ROWS - 1)

    def cbase_of(k):
        return pl.multiple_of(tbase + k * W, W)

    def fire_in(k, b):
        cbase = cbase_of(k)
        pltpu.async_copy(buf_hbm.at[:, pl.ds(cbase, W)], blk[b], sem_in)
        pltpu.async_copy(delays_hbm.at[pl.ds(cbase, W)], dv[b], sem_in)
        pltpu.async_copy(spikes_hbm.at[pl.ds(cbase, W)], sv[b], sem_in)

    def wait_in(k, b):
        cbase = cbase_of(k)
        pltpu.make_async_copy(buf_hbm.at[:, pl.ds(cbase, W)], blk[b],
                              sem_in).wait()
        pltpu.make_async_copy(delays_hbm.at[pl.ds(cbase, W)], dv[b],
                              sem_in).wait()
        pltpu.make_async_copy(spikes_hbm.at[pl.ds(cbase, W)], sv[b],
                              sem_in).wait()

    def select_tree(blk_ref, d, off):
        r = (p1 - d) & (D_ROWS - 1)
        vals = [blk_ref[row, pl.ds(off, L)] for row in range(D_ROWS)]
        for bit in range(6):
            take_hi = ((r >> bit) & 1) == 1
            vals = [jnp.where(take_hi, vals[2 * i + 1], vals[2 * i])
                    for i in range(len(vals) // 2)]
        return r, vals[0]

    def compute(k, b):
        def group(u, carry):
            off = u * L
            d = dv[b][pl.ds(off, L)]
            r, val = select_tree(blk[b], d, off)
            ov[b][pl.ds(off, L)] = jnp.where(
                r == ptr_mod, sv[b][pl.ds(off, L)], val)
            return carry
        lax.fori_loop(0, W // L, group, 0)

    def fire_out(k, b):
        pltpu.async_copy(ov[b], out_hbm.at[pl.ds(cbase_of(k), W)], sem_out)

    def wait_out():
        pltpu.make_async_copy(ov[0], out_hbm.at[pl.ds(tbase, W)],
                              sem_out).wait()

    fire_in(0, 0)

    def body(j, carry):
        k0 = 2 * j
        k1 = k0 + 1
        fire_in(k1, 1)
        wait_in(k0, 0)

        @pl.when(j >= 1)
        def _():
            wait_out()

        compute(k0, 0)
        fire_out(k0, 0)

        @pl.when(k1 + 1 < NWIN)
        def _():
            fire_in(k0 + 2, 0)

        wait_in(k1, 1)

        @pl.when(j >= 1)
        def _():
            wait_out()

        compute(k1, 1)
        fire_out(k1, 1)
        return carry

    lax.fori_loop(0, NWIN // 2, body, 0)
    wait_out()
    wait_out()


def _tc_body(ptr_ref, delays_ref, spikes_ref, buf_ref, out_ref):
    p = ptr_ref[0]
    d = delays_ref[...]
    r = (p + 1 - d) & (D_ROWS - 1)
    rows = jax.lax.broadcasted_iota(jnp.int32, (D_ROWS, BC), 0)
    hit = rows == r[None, :]
    val = jnp.sum(jnp.where(hit, buf_ref[...], 0.0), axis=0)
    out_ref[...] = jnp.where(r == (p & (D_ROWS - 1)), spikes_ref[...], val)


def _tc_delay_gather(buffer, delays_i, spikes_f, ptr_arr):
    return pl.pallas_call(
        _tc_body,
        grid=(NBLK,),
        in_specs=[
            pl.BlockSpec(memory_space=pltpu.SMEM),
            pl.BlockSpec((BC,), lambda i: (i + BOFF,)),
            pl.BlockSpec((BC,), lambda i: (i + BOFF,)),
            pl.BlockSpec((D_ROWS, BC), lambda i: (0, i + BOFF)),
        ],
        out_specs=pl.BlockSpec((BC,), lambda i: (i,)),
        out_shape=jax.ShapeDtypeStruct((NBLK * BC,), jnp.float32),
    )(ptr_arr, delays_i, spikes_f, buffer)


def kernel(buffer, spikes, delays, ptr):
    delays_i = delays.astype(jnp.int32)
    spikes_f = spikes.astype(jnp.float32)
    ptr_sc = jnp.full((L,), ptr, dtype=jnp.int32)
    ptr_tc = jnp.full((1,), ptr, dtype=jnp.int32)
    out_sc = _sc_delay_gather(buffer, delays_i, spikes_f, ptr_sc)
    out_tc = _tc_delay_gather(buffer, delays_i, spikes_f, ptr_tc)
    return jnp.concatenate([out_sc, out_tc[:SIZE - SC_COLS]])

# --- scband reference (transcript-rebuilt; emitter-appended) ---
"""Pipeline reference for scband-heterogeneous-delay-buffer-39608188403846 (READ-ONLY COPY).

The authoritative reference and input builder live on the scoring server;
editing this copy changes nothing except your own understanding.
"""

import jax, jax.numpy as jnp
import numpy as np

SIZE = 1000000
MAX_DELAY = 63  # delays in [0, 64)


def setup_inputs(seed: int = 0) -> dict:
    key = jax.random.key(seed)
    k1, k2, k3 = jax.random.split(key, 3)
    delays = jax.random.randint(k1, (SIZE,), 0, MAX_DELAY + 1)
    buffer = jax.random.uniform(k2, (MAX_DELAY + 1, SIZE), dtype=jnp.float32)
    spikes = jax.random.uniform(k3, (SIZE,), dtype=jnp.float32)
    return {"buffer": buffer, "spikes": spikes, "delays": delays, "ptr": 0}


def reference(buffer, spikes, delays, ptr):
    # write_and_advance(spikes) followed by read_heterogeneous()
    D = buffer.shape[0]  # max_delay + 1
    size = buffer.shape[1]
    # write: buffer[ptr] = spikes  (scatter-overwrite of one row)
    buf = buffer.at[ptr].set(spikes)
    # advance
    new_ptr = (ptr + 1) % D
    # read_heterogeneous: per-neuron gather from different ring positions
    read_indices = (new_ptr - delays) % D
    neuron_indices = jnp.arange(size)
    out = buf[read_indices, neuron_indices]
    return out

if __name__ == "__main__":
    import jax
    _d = setup_inputs()
    print(jax.jit(kernel)(*tuple(_d.values())))

</pallas_src>

<mosaic_0001>
#map = affine_map<(d0, d1) -> (0, 0)>
#map1 = affine_map<(d0, d1) -> (0)>
module attributes {stable_mosaic.version = 14 : i64} {
  func.func @_sc_delay_gather(%arg0: i32, %arg1: i32, %arg2: memref<64x1000000xf32, #tpu.memory_space<hbm>>, %arg3: memref<1000000xi32, #tpu.memory_space<hbm>>, %arg4: memref<1000000xf32, #tpu.memory_space<hbm>>, %arg5: memref<16xi32, #tpu.memory_space<hbm>>, %arg6: memref<589824xf32, #tpu.memory_space<hbm>>, %arg7: memref<64x512xf32, #tpu.memory_space<vmem>>, %arg8: memref<64x512xf32, #tpu.memory_space<vmem>>, %arg9: memref<512xi32, #tpu.memory_space<vmem>>, %arg10: memref<512xi32, #tpu.memory_space<vmem>>, %arg11: memref<512xf32, #tpu.memory_space<vmem>>, %arg12: memref<512xf32, #tpu.memory_space<vmem>>, %arg13: memref<512xf32, #tpu.memory_space<vmem>>, %arg14: memref<512xf32, #tpu.memory_space<vmem>>, %arg15: memref<16xi32, #tpu.memory_space<vmem>>, %arg16: memref<!tpu.dma_semaphore, #tpu.memory_space<semaphore_mem>>, %arg17: memref<!tpu.dma_semaphore, #tpu.memory_space<semaphore_mem>>) attributes {dimension_semantics = [#tpu.dimension_semantics<core_parallel>, #tpu.dimension_semantics<subcore_parallel>], iteration_bounds = array<i64: 2, 16>, scalar_prefetch = 0 : i64, scratch_operands = 11 : i64, tpu.core_type = #tpu.core_type<sc_vector_subcore>, window_params = [{transform_indices = #map}, {transform_indices = #map1}, {transform_indices = #map1}, {transform_indices = #map1}, {transform_indices = #map1}]} {
    %mul3A = arith.constant 2 : i32
    %mul3A_0 = arith.muli %arg1, %mul3A : i32
    %add3A = arith.addi %mul3A_0, %arg0 : i32
    %mul3A_1 = arith.constant 18432 : i32
    %mul3A_2 = arith.muli %add3A, %mul3A_1 : i32
    "tpu.region"() ({
      %run_scoped3A = tpu.sem_alloc : memref<!tpu.dma_semaphore, #tpu.memory_space<semaphore_mem>>
      tpu.enqueue_dma source(%arg5 : memref<16xi32, #tpu.memory_space<hbm>>) target(%arg15 : memref<16xi32, #tpu.memory_space<vmem>>) target_semaphore(%run_scoped3A : memref<!tpu.dma_semaphore, #tpu.memory_space<semaphore_mem>>)
      tpu.wait_dma2 semaphore(%run_scoped3A : memref<!tpu.dma_semaphore, #tpu.memory_space<semaphore_mem>>) src(%arg5 : memref<16xi32, #tpu.memory_space<hbm>>) dst(%arg15 : memref<16xi32, #tpu.memory_space<vmem>>)
      tpu.yield
    }) : () -> ()
    %get3A = arith.constant 0 : index
    %get3A_3 = tpu.vector_load %arg15[%get3A] {strides = array<i32>} : memref<16xi32, #tpu.memory_space<vmem>>, vector<16xi32>,
    %get3A_4 = vector.shape_cast %get3A_3 : vector<16xi32> to vector<16xi32>
    %add3A_5 = arith.constant 1 : i32
    %add3A_6 = vector.broadcast %add3A_5 : i32 to vector<16xi32>
    %add3A_7 = arith.addi %get3A_4, %add3A_6 : vector<16xi32>
    %and3A = arith.constant 63 : i32
    %and3A_8 = vector.broadcast %and3A : i32 to vector<16xi32>
    %and3A_9 = arith.andi %get3A_4, %and3A_8 : vector<16xi32>
    %add3A_10 = arith.constant 0 : i32
    %add3A_11 = arith.addi %mul3A_2, %add3A_10 : i32
    %multiple_of3A = tpu.assume_multiple %add3A_11, 512 : i32
    %dma_start3A = arith.constant 0 : i32
    %dma_start3A_12 = tpu.memref_slice %arg2[%dma_start3A, %multiple_of3A] : memref<64x1000000xf32, #tpu.memory_space<hbm>> -> memref<64x512xf32, #tpu.memory_space<hbm>>
    %dma_start3A_13 = arith.constant 0 : i32
    %dma_start3A_14 = tpu.memref_slice %arg2[%dma_start3A_13, %multiple_of3A] : memref<64x1000000xf32, #tpu.memory_space<hbm>> -> memref<64x512xf32, #tpu.memory_space<hbm>>
    tpu.enqueue_dma source(%dma_start3A_14 : memref<64x512xf32, #tpu.memory_space<hbm>>) target(%arg7 : memref<64x512xf32, #tpu.memory_space<vmem>>) target_semaphore(%arg16 : memref<!tpu.dma_semaphore, #tpu.memory_space<semaphore_mem>>)
    %dma_start3A_15 = tpu.memref_slice %arg3[%multiple_of3A] : memref<1000000xi32, #tpu.memory_space<hbm>> -> memref<512xi32, #tpu.memory_space<hbm>>
    %dma_start3A_16 = tpu.memref_slice %arg3[%multiple_of3A] : memref<1000000xi32, #tpu.memory_space<hbm>> -> memref<512xi32, #tpu.memory_space<hbm>>
    tpu.enqueue_dma source(%dma_start3A_16 : memref<512xi32, #tpu.memory_space<hbm>>) target(%arg9 : memref<512xi32, #tpu.memory_space<vmem>>) target_semaphore(%arg16 : memref<!tpu.dma_semaphore, #tpu.memory_space<semaphore_mem>>)
    %dma_start3A_17 = tpu.memref_slice %arg4[%multiple_of3A] : memref<1000000xf32, #tpu.memory_space<hbm>> -> memref<512xf32, #tpu.memory_space<hbm>>
    %dma_start3A_18 = tpu.memref_slice %arg4[%multiple_of3A] : memref<1000000xf32, #tpu.memory_space<hbm>> -> memref<512xf32, #tpu.memory_space<hbm>>
    tpu.enqueue_dma source(%dma_start3A_18 : memref<512xf32, #tpu.memory_space<hbm>>) target(%arg11 : memref<512xf32, #tpu.memory_space<vmem>>) target_semaphore(%arg16 : memref<!tpu.dma_semaphore, #tpu.memory_space<semaphore_mem>>)
    %scan3A = arith.constant 0 : i32
    %scan3A_19 = arith.constant 0 : i32
    %scan3A_20 = arith.constant 18 : i32
    %scan3A_21 = arith.addi %scan3A_19, %scan3A_20 : i32
    %scan3A_22 = arith.constant 1 : i32
    scf.for %scan3A_27 = %scan3A_19 to %scan3A_21 step %scan3A_22  : i32 {
      %mul3A_28 = arith.constant 2 : i32
      %mul3A_29 = arith.muli %mul3A_28, %scan3A_27 : i32
      %add3A_30 = arith.constant 1 : i32
      %add3A_31 = arith.addi %mul3A_29, %add3A_30 : i32
      %mul3A_32 = arith.constant 512 : i32
      %mul3A_33 = arith.muli %add3A_31, %mul3A_32 : i32
      %add3A_34 = arith.addi %mul3A_2, %mul3A_33 : i32
      %multiple_of3A_35 = tpu.assume_multiple %add3A_34, 512 : i32
      %dma_start3A_36 = arith.constant 0 : i32
      %dma_start3A_37 = tpu.memref_slice %arg2[%dma_start3A_36, %multiple_of3A_35] : memref<64x1000000xf32, #tpu.memory_space<hbm>> -> memref<64x512xf32, #tpu.memory_space<hbm>>
      %dma_start3A_38 = arith.constant 0 : i32
      %dma_start3A_39 = tpu.memref_slice %arg2[%dma_start3A_38, %multiple_of3A_35] : memref<64x1000000xf32, #tpu.memory_space<hbm>> -> memref<64x512xf32, #tpu.memory_space<hbm>>
      tpu.enqueue_dma source(%dma_start3A_39 : memref<64x512xf32, #tpu.memory_space<hbm>>) target(%arg8 : memref<64x512xf32, #tpu.memory_space<vmem>>) target_semaphore(%arg16 : memref<!tpu.dma_semaphore, #tpu.memory_space<semaphore_mem>>)
      %dma_start3A_40 = tpu.memref_slice %arg3[%multiple_of3A_35] : memref<1000000xi32, #tpu.memory_space<hbm>> -> memref<512xi32, #tpu.memory_space<hbm>>
      %dma_start3A_41 = tpu.memref_slice %arg3[%multiple_of3A_35] : memref<1000000xi32, #tpu.memory_space<hbm>> -> memref<512xi32, #tpu.memory_space<hbm>>
      tpu.enqueue_dma source(%dma_start3A_41 : memref<512xi32, #tpu.memory_space<hbm>>) target(%arg10 : memref<512xi32, #tpu.memory_space<vmem>>) target_semaphore(%arg16 : memref<!tpu.dma_semaphore, #tpu.memory_space<semaphore_mem>>)
      %dma_start3A_42 = tpu.memref_slice %arg4[%multiple_of3A_35] : memref<1000000xf32, #tpu.memory_space<hbm>> -> memref<512xf32, #tpu.memory_space<hbm>>
      %dma_start3A_43 = tpu.memref_slice %arg4[%multiple_of3A_35] : memref<1000000xf32, #tpu.memory_space<hbm>> -> memref<512xf32, #tpu.memory_space<hbm>>
      tpu.enqueue_dma source(%dma_start3A_43 : memref<512xf32, #tpu.memory_space<hbm>>) target(%arg12 : memref<512xf32, #tpu.memory_space<vmem>>) target_semaphore(%arg16 : memref<!tpu.dma_semaphore, #tpu.memory_space<semaphore_mem>>)
      %mul3A_44 = arith.constant 512 : i32
      %mul3A_45 = arith.muli %mul3A_29, %mul3A_44 : i32
      %add3A_46 = arith.addi %mul3A_2, %mul3A_45 : i32
      %multiple_of3A_47 = tpu.assume_multiple %add3A_46, 512 : i32
      %dma_wait3A_48 = arith.constant 0 : i32
      %dma_wait3A_49 = tpu.memref_slice %arg2[%dma_wait3A_48, %multiple_of3A_47] : memref<64x1000000xf32, #tpu.memory_space<hbm>> -> memref<64x512xf32, #tpu.memory_space<hbm>>
      %dma_wait3A_50 = arith.constant 0 : i32
      %dma_wait3A_51 = tpu.memref_slice %arg2[%dma_wait3A_50, %multiple_of3A_47] : memref<64x1000000xf32, #tpu.memory_space<hbm>> -> memref<64x512xf32, #tpu.memory_space<hbm>>
      tpu.wait_dma2 semaphore(%arg16 : memref<!tpu.dma_semaphore, #tpu.memory_space<semaphore_mem>>) src(%dma_wait3A_51 : memref<64x512xf32, #tpu.memory_space<hbm>>) dst(%arg7 : memref<64x512xf32, #tpu.memory_space<vmem>>)
      %dma_wait3A_52 = tpu.memref_slice %arg3[%multiple_of3A_47] : memref<1000000xi32, #tpu.memory_space<hbm>> -> memref<512xi32, #tpu.memory_space<hbm>>
      %dma_wait3A_53 = tpu.memref_slice %arg3[%multiple_of3A_47] : memref<1000000xi32, #tpu.memory_space<hbm>> -> memref<512xi32, #tpu.memory_space<hbm>>
      tpu.wait_dma2 semaphore(%arg16 : memref<!tpu.dma_semaphore, #tpu.memory_space<semaphore_mem>>) src(%dma_wait3A_53 : memref<512xi32, #tpu.memory_space<hbm>>) dst(%arg9 : memref<512xi32, #tpu.memory_space<vmem>>)
      %dma_wait3A_54 = tpu.memref_slice %arg4[%multiple_of3A_47] : memref<1000000xf32, #tpu.memory_space<hbm>> -> memref<512xf32, #tpu.memory_space<hbm>>
      %dma_wait3A_55 = tpu.memref_slice %arg4[%multiple_of3A_47] : memref<1000000xf32, #tpu.memory_space<hbm>> -> memref<512xf32, #tpu.memory_space<hbm>>
      tpu.wait_dma2 semaphore(%arg16 : memref<!tpu.dma_semaphore, #tpu.memory_space<semaphore_mem>>) src(%dma_wait3A_55 : memref<512xf32, #tpu.memory_space<hbm>>) dst(%arg11 : memref<512xf32, #tpu.memory_space<vmem>>)
      %ge3A = arith.constant 1 : i32
      %ge3A_56 = arith.cmpi sge, %scan3A_27, %ge3A : i32
      %convert_element_type3A = arith.extui %ge3A_56 : i1 to i32
      %cond3A = arith.constant 0 : i32
      %cond3A_57 = arith.cmpi ne, %convert_element_type3A, %cond3A : i32
      scf.if %cond3A_57 {
        %dma_wait3A_105 = tpu.memref_slice %arg6[%mul3A_2] : memref<589824xf32, #tpu.memory_space<hbm>> -> memref<512xf32, #tpu.memory_space<hbm>>
        %dma_wait3A_106 = tpu.memref_slice %arg6[%mul3A_2] : memref<589824xf32, #tpu.memory_space<hbm>> -> memref<512xf32, #tpu.memory_space<hbm>>
        tpu.wait_dma2 semaphore(%arg17 : memref<!tpu.dma_semaphore, #tpu.memory_space<semaphore_mem>>) src(%arg13 : memref<512xf32, #tpu.memory_space<vmem>>) dst(%dma_wait3A_106 : memref<512xf32, #tpu.memory_space<hbm>>)
      } else {
      }
      %scan3A_58 = arith.constant 0 : i32
      %scan3A_59 = arith.constant 0 : i32
      %scan3A_60 = arith.constant 32 : i32
      %scan3A_61 = arith.addi %scan3A_59, %scan3A_60 : i32
      %scan3A_62 = arith.constant 1 : i32
      scf.for %scan3A_105 = %scan3A_59 to %scan3A_61 step %scan3A_62  : i32 {
        %mul3A_106 = arith.constant 16 : i32
        %mul3A_107 = arith.muli %scan3A_105, %mul3A_106 : i32
        %get3A_108 = arith.index_cast %mul3A_107 : i32 to index
        %get3A_109 = tpu.vector_load %arg9[%get3A_108] {strides = array<i32>} : memref<512xi32, #tpu.memory_space<vmem>>, vector<16xi32>,
        %get3A_110 = vector.shape_cast %get3A_109 : vector<16xi32> to vector<16xi32>
        %sub3A = arith.subi %add3A_7, %get3A_110 : vector<16xi32>
        %and3A_111 = arith.constant 63 : i32
        %and3A_112 = vector.broadcast %and3A_111 : i32 to vector<16xi32>
        %and3A_113 = arith.andi %sub3A, %and3A_112 : vector<16xi32>
        %get3A_114 = arith.constant 0 : i32
        %get3A_115 = arith.index_cast %get3A_114 : i32 to index
        %get3A_116 = arith.index_cast %mul3A_107 : i32 to index
        %get3A_117 = tpu.vector_load %arg7[%get3A_115, %get3A_116] {strides = array<i32>} : memref<64x512xf32, #tpu.memory_space<vmem>>, vector<1x16xf32>,
        %get3A_118 = vector.shape_cast %get3A_117 : vector<1x16xf32> to vector<16xf32>
        %get3A_119 = arith.constant 1 : i32
        %get3A_120 = arith.index_cast %get3A_119 : i32 to index
        %get3A_121 = arith.index_cast %mul3A_107 : i32 to index
        %get3A_122 = tpu.vector_load %arg7[%get3A_120, %get3A_121] {strides = array<i32>} : memref<64x512xf32, #tpu.memory_space<vmem>>, vector<1x16xf32>,
        %get3A_123 = vector.shape_cast %get3A_122 : vector<1x16xf32> to vector<16xf32>
        %get3A_124 = arith.constant 2 : i32
        %get3A_125 = arith.index_cast %get3A_124 : i32 to index
        %get3A_126 = arith.index_cast %mul3A_107 : i32 to index
        %get3A_127 = tpu.vector_load %arg7[%get3A_125, %get3A_126] {strides = array<i32>} : memref<64x512xf32, #tpu.memory_space<vmem>>, vector<1x16xf32>,
        %get3A_128 = vector.shape_cast %get3A_127 : vector<1x16xf32> to vector<16xf32>
        %get3A_129 = arith.constant 3 : i32
        %get3A_130 = arith.index_cast %get3A_129 : i32 to index
        %get3A_131 = arith.index_cast %mul3A_107 : i32 to index
        %get3A_132 = tpu.vector_load %arg7[%get3A_130, %get3A_131] {strides = array<i32>} : memref<64x512xf32, #tpu.memory_space<vmem>>, vector<1x16xf32>,
        %get3A_133 = vector.shape_cast %get3A_132 : vector<1x16xf32> to vector<16xf32>
        %get3A_134 = arith.constant 4 : i32
        %get3A_135 = arith.index_cast %get3A_134 : i32 to index
        %get3A_136 = arith.index_cast %mul3A_107 : i32 to index
        %get3A_137 = tpu.vector_load %arg7[%get3A_135, %get3A_136] {strides = array<i32>} : memref<64x512xf32, #tpu.memory_space<vmem>>, vector<1x16xf32>,
        %get3A_138 = vector.shape_cast %get3A_137 : vector<1x16xf32> to vector<16xf32>
        %get3A_139 = arith.constant 5 : i32
        %get3A_140 = arith.index_cast %get3A_139 : i32 to index
        %get3A_141 = arith.index_cast %mul3A_107 : i32 to index
        %get3A_142 = tpu.vector_load %arg7[%get3A_140, %get3A_141] {strides = array<i32>} : memref<64x512xf32, #tpu.memory_space<vmem>>, vector<1x16xf32>,
        %get3A_143 = vector.shape_cast %get3A_142 : vector<1x16xf32> to vector<16xf32>
        %get3A_144 = arith.constant 6 : i32
        %get3A_145 = arith.index_cast %get3A_144 : i32 to index
        %get3A_146 = arith.index_cast %mul3A_107 : i32 to index
        %get3A_147 = tpu.vector_load %arg7[%get3A_145, %get3A_146] {strides = array<i32>} : memref<64x512xf32, #tpu.memory_space<vmem>>, vector<1x16xf32>,
        %get3A_148 = vector.shape_cast %get3A_147 : vector<1x16xf32> to vector<16xf32>
        %get3A_149 = arith.constant 7 : i32
        %get3A_150 = arith.index_cast %get3A_149 : i32 to index
        %get3A_151 = arith.index_cast %mul3A_107 : i32 to index
        %get3A_152 = tpu.vector_load %arg7[%get3A_150, %get3A_151] {strides = array<i32>} : memref<64x512xf32, #tpu.memory_space<vmem>>, vector<1x16xf32>,
        %get3A_153 = vector.shape_cast %get3A_152 : vector<1x16xf32> to vector<16xf32>
        %get3A_154 = arith.constant 8 : i32
        %get3A_155 = arith.index_cast %get3A_154 : i32 to index
        %get3A_156 = arith.index_cast %mul3A_107 : i32 to index
        %get3A_157 = tpu.vector_load %arg7[%get3A_155, %get3A_156] {strides = array<i32>} : memref<64x512xf32, #tpu.memory_space<vmem>>, vector<1x16xf32>,
        %get3A_158 = vector.shape_cast %get3A_157 : vector<1x16xf32> to vector<16xf32>
        %get3A_159 = arith.constant 9 : i32
        %get3A_160 = arith.index_cast %get3A_159 : i32 to index
        %get3A_161 = arith.index_cast %mul3A_107 : i32 to index
        %get3A_162 = tpu.vector_load %arg7[%get3A_160, %get3A_161] {strides = array<i32>} : memref<64x512xf32, #tpu.memory_space<vmem>>, vector<1x16xf32>,
        %get3A_163 = vector.shape_cast %get3A_162 : vector<1x16xf32> to vector<16xf32>
        %get3A_164 = arith.constant 10 : i32
        %get3A_165 = arith.index_cast %get3A_164 : i32 to index
        %get3A_166 = arith.index_cast %mul3A_107 : i32 to index
        %get3A_167 = tpu.vector_load %arg7[%get3A_165, %get3A_166] {strides = array<i32>} : memref<64x512xf32, #tpu.memory_space<vmem>>, vector<1x16xf32>,
        %get3A_168 = vector.shape_cast %get3A_167 : vector<1x16xf32> to vector<16xf32>
        %get3A_169 = arith.constant 11 : i32
        %get3A_170 = arith.index_cast %get3A_169 : i32 to index
        %get3A_171 = arith.index_cast %mul3A_107 : i32 to index
        %get3A_172 = tpu.vector_load %arg7[%get3A_170, %get3A_171] {strides = array<i32>} : memref<64x512xf32, #tpu.memory_space<vmem>>, vector<1x16xf32>,
        %get3A_173 = vector.shape_cast %get3A_172 : vector<1x16xf32> to vector<16xf32>
        %get3A_174 = arith.constant 12 : i32
        %get3A_175 = arith.index_cast %get3A_174 : i32 to index
        %get3A_176 = arith.index_cast %mul3A_107 : i32 to index
        %get3A_177 = tpu.vector_load %arg7[%get3A_175, %get3A_176] {strides = array<i32>} : memref<64x512xf32, #tpu.memory_space<vmem>>, vector<1x16xf32>,
        %get3A_178 = vector.shape_cast %get3A_177 : vector<1x16xf32> to vector<16xf32>
        %get3A_179 = arith.constant 13 : i32
        %get3A_180 = arith.index_cast %get3A_179 : i32 to index
        %get3A_181 = arith.index_cast %mul3A_107 : i32 to index
        %get3A_182 = tpu.vector_load %arg7[%get3A_180, %get3A_181] {strides = array<i32>} : memref<64x512xf32, #tpu.memory_space<vmem>>, vector<1x16xf32>,
        %get3A_183 = vector.shape_cast %get3A_182 : vector<1x16xf32> to vector<16xf32>
        %get3A_184 = arith.constant 14 : i32
        %get3A_185 = arith.index_cast %get3A_184 : i32 to index
        %get3A_186 = arith.index_cast %mul3A_107 : i32 to index
        %get3A_187 = tpu.vector_load %arg7[%get3A_185, %get3A_186] {strides = array<i32>} : memref<64x512xf32, #tpu.memory_space<vmem>>, vector<1x16xf32>,
        %get3A_188 = vector.shape_cast %get3A_187 : vector<1x16xf32> to vector<16xf32>
        %get3A_189 = arith.constant 15 : i32
        %get3A_190 = arith.index_cast %get3A_189 : i32 to index
        %get3A_191 = arith.index_cast %mul3A_107 : i32 to index
        %get3A_192 = tpu.vector_load %arg7[%get3A_190, %get3A_191] {strides = array<i32>} : memref<64x512xf32, #tpu.memory_space<vmem>>, vector<1x16xf32>,
        %get3A_193 = vector.shape_cast %get3A_192 : vector<1x16xf32> to vector<16xf32>
        %get3A_194 = arith.constant 16 : i32
        %get3A_195 = arith.index_cast %get3A_194 : i32 to index
        %get3A_196 = arith.index_cast %mul3A_107 : i32 to index
        %get3A_197 = tpu.vector_load %arg7[%get3A_195, %get3A_196] {strides = array<i32>} : memref<64x512xf32, #tpu.memory_space<vmem>>, vector<1x16xf32>,
        %get3A_198 = vector.shape_cast %get3A_197 : vector<1x16xf32> to vector<16xf32>
        %get3A_199 = arith.constant 17 : i32
        %get3A_200 = arith.index_cast %get3A_199 : i32 to index
        %get3A_201 = arith.index_cast %mul3A_107 : i32 to index
        %get3A_202 = tpu.vector_load %arg7[%get3A_200, %get3A_201] {strides = array<i32>} : memref<64x512xf32, #tpu.memory_space<vmem>>, vector<1x16xf32>,
        %get3A_203 = vector.shape_cast %get3A_202 : vector<1x16xf32> to vector<16xf32>
        %get3A_204 = arith.constant 18 : i32
        %get3A_205 = arith.index_cast %get3A_204 : i32 to index
        %get3A_206 = arith.index_cast %mul3A_107 : i32 to index
        %get3A_207 = tpu.vector_load %arg7[%get3A_205, %get3A_206] {strides = array<i32>} : memref<64x512xf32, #tpu.memory_space<vmem>>, vector<1x16xf32>,
        %get3A_208 = vector.shape_cast %get3A_207 : vector<1x16xf32> to vector<16xf32>
        %get3A_209 = arith.constant 19 : i32
        %get3A_210 = arith.index_cast %get3A_209 : i32 to index
        %get3A_211 = arith.index_cast %mul3A_107 : i32 to index
        %get3A_212 = tpu.vector_load %arg7[%get3A_210, %get3A_211] {strides = array<i32>} : memref<64x512xf32, #tpu.memory_space<vmem>>, vector<1x16xf32>,
        %get3A_213 = vector.shape_cast %get3A_212 : vector<1x16xf32> to vector<16xf32>
        %get3A_214 = arith.constant 20 : i32
        %get3A_215 = arith.index_cast %get3A_214 : i32 to index
        %get3A_216 = arith.index_cast %mul3A_107 : i32 to index
        %get3A_217 = tpu.vector_load %arg7[%get3A_215, %get3A_216] {strides = array<i32>} : memref<64x512xf32, #tpu.memory_space<vmem>>, vector<1x16xf32>,
        %get3A_218 = vector.shape_cast %get3A_217 : vector<1x16xf32> to vector<16xf32>
        %get3A_219 = arith.constant 21 : i32
        %get3A_220 = arith.index_cast %get3A_219 : i32 to index
        %get3A_221 = arith.index_cast %mul3A_107 : i32 to index
        %get3A_222 = tpu.vector_load %arg7[%get3A_220, %get3A_221] {strides = array<i32>} : memref<64x512xf32, #tpu.memory_space<vmem>>, vector<1x16xf32>,
        %get3A_223 = vector.shape_cast %get3A_222 : vector<1x16xf32> to vector<16xf32>
        %get3A_224 = arith.constant 22 : i32
        %get3A_225 = arith.index_cast %get3A_224 : i32 to index
        %get3A_226 = arith.index_cast %mul3A_107 : i32 to index
        %get3A_227 = tpu.vector_load %arg7[%get3A_225, %get3A_226] {strides = array<i32>} : memref<64x512xf32, #tpu.memory_space<vmem>>, vector<1x16xf32>,
        %get3A_228 = vector.shape_cast %get3A_227 : vector<1x16xf32> to vector<16xf32>
        %get3A_229 = arith.constant 23 : i32
        %get3A_230 = arith.index_cast %get3A_229 : i32 to index
        %get3A_231 = arith.index_cast %mul3A_107 : i32 to index
        %get3A_232 = tpu.vector_load %arg7[%get3A_230, %get3A_231] {strides = array<i32>} : memref<64x512xf32, #tpu.memory_space<vmem>>, vector<1x16xf32>,
        %get3A_233 = vector.shape_cast %get3A_232 : vector<1x16xf32> to vector<16xf32>
        %get3A_234 = arith.constant 24 : i32
        %get3A_235 = arith.index_cast %get3A_234 : i32 to index
        %get3A_236 = arith.index_cast %mul3A_107 : i32 to index
        %get3A_237 = tpu.vector_load %arg7[%get3A_235, %get3A_236] {strides = array<i32>} : memref<64x512xf32, #tpu.memory_space<vmem>>, vector<1x16xf32>,
        %get3A_238 = vector.shape_cast %get3A_237 : vector<1x16xf32> to vector<16xf32>
        %get3A_239 = arith.constant 25 : i32
        %get3A_240 = arith.index_cast %get3A_239 : i32 to index
        %get3A_241 = arith.index_cast %mul3A_107 : i32 to index
        %get3A_242 = tpu.vector_load %arg7[%get3A_240, %get3A_241] {strides = array<i32>} : memref<64x512xf32, #tpu.memory_space<vmem>>, vector<1x16xf32>,
        %get3A_243 = vector.shape_cast %get3A_242 : vector<1x16xf32> to vector<16xf32>
        %get3A_244 = arith.constant 26 : i32
        %get3A_245 = arith.index_cast %get3A_244 : i32 to index
        %get3A_246 = arith.index_cast %mul3A_107 : i32 to index
        %get3A_247 = tpu.vector_load %arg7[%get3A_245, %get3A_246] {strides = array<i32>} : memref<64x512xf32, #tpu.memory_space<vmem>>, vector<1x16xf32>,
        %get3A_248 = vector.shape_cast %get3A_247 : vector<1x16xf32> to vector<16xf32>
        %get3A_249 = arith.constant 27 : i32
        %get3A_250 = arith.index_cast %get3A_249 : i32 to index
        %get3A_251 = arith.index_cast %mul3A_107 : i32 to index
        %get3A_252 = tpu.vector_load %arg7[%get3A_250, %get3A_251] {strides = array<i32>} : memref<64x512xf32, #tpu.memory_space<vmem>>, vector<1x16xf32>,
        %get3A_253 = vector.shape_cast %get3A_252 : vector<1x16xf32> to vector<16xf32>
        %get3A_254 = arith.constant 28 : i32
        %get3A_255 = arith.index_cast %get3A_254 : i32 to index
        %get3A_256 = arith.index_cast %mul3A_107 : i32 to index
        %get3A_257 = tpu.vector_load %arg7[%get3A_255, %get3A_256] {strides = array<i32>} : memref<64x512xf32, #tpu.memory_space<vmem>>, vector<1x16xf32>,
        %get3A_258 = vector.shape_cast %get3A_257 : vector<1x16xf32> to vector<16xf32>
        %get3A_259 = arith.constant 29 : i32
        %get3A_260 = arith.index_cast %get3A_259 : i32 to index
        %get3A_261 = arith.index_cast %mul3A_107 : i32 to index
        %get3A_262 = tpu.vector_load %arg7[%get3A_260, %get3A_261] {strides = array<i32>} : memref<64x512xf32, #tpu.memory_space<vmem>>, vector<1x16xf32>,
        %get3A_263 = vector.shape_cast %get3A_262 : vector<1x16xf32> to vector<16xf32>
        %get3A_264 = arith.constant 30 : i32
        %get3A_265 = arith.index_cast %get3A_264 : i32 to index
        %get3A_266 = arith.index_cast %mul3A_107 : i32 to index
        %get3A_267 = tpu.vector_load %arg7[%get3A_265, %get3A_266] {strides = array<i32>} : memref<64x512xf32, #tpu.memory_space<vmem>>, vector<1x16xf32>,
        %get3A_268 = vector.shape_cast %get3A_267 : vector<1x16xf32> to vector<16xf32>
        %get3A_269 = arith.constant 31 : i32
        %get3A_270 = arith.index_cast %get3A_269 : i32 to index
        %get3A_271 = arith.index_cast %mul3A_107 : i32 to index
        %get3A_272 = tpu.vector_load %arg7[%get3A_270, %get3A_271] {strides = array<i32>} : memref<64x512xf32, #tpu.memory_space<vmem>>, vector<1x16xf32>,
        %get3A_273 = vector.shape_cast %get3A_272 : vector<1x16xf32> to vector<16xf32>
        %get3A_274 = arith.constant 32 : i32
        %get3A_275 = arith.index_cast %get3A_274 : i32 to index
        %get3A_276 = arith.index_cast %mul3A_107 : i32 to index
        %get3A_277 = tpu.vector_load %arg7[%get3A_275, %get3A_276] {strides = array<i32>} : memref<64x512xf32, #tpu.memory_space<vmem>>, vector<1x16xf32>,
        %get3A_278 = vector.shape_cast %get3A_277 : vector<1x16xf32> to vector<16xf32>
        %get3A_279 = arith.constant 33 : i32
        %get3A_280 = arith.index_cast %get3A_279 : i32 to index
        %get3A_281 = arith.index_cast %mul3A_107 : i32 to index
        %get3A_282 = tpu.vector_load %arg7[%get3A_280, %get3A_281] {strides = array<i32>} : memref<64x512xf32, #tpu.memory_space<vmem>>, vector<1x16xf32>,
        %get3A_283 = vector.shape_cast %get3A_282 : vector<1x16xf32> to vector<16xf32>
        %get3A_284 = arith.constant 34 : i32
        %get3A_285 = arith.index_cast %get3A_284 : i32 to index
        %get3A_286 = arith.index_cast %mul3A_107 : i32 to index
        %get3A_287 = tpu.vector_load %arg7[%get3A_285, %get3A_286] {strides = array<i32>} : memref<64x512xf32, #tpu.memory_space<vmem>>, vector<1x16xf32>,
        %get3A_288 = vector.shape_cast %get3A_287 : vector<1x16xf32> to vector<16xf32>
        %get3A_289 = arith.constant 35 : i32
        %get3A_290 = arith.index_cast %get3A_289 : i32 to index
        %get3A_291 = arith.index_cast %mul3A_107 : i32 to index
        %get3A_292 = tpu.vector_load %arg7[%get3A_290, %get3A_291] {strides = array<i32>} : memref<64x512xf32, #tpu.memory_space<vmem>>, vector<1x16xf32>,
        %get3A_293 = vector.shape_cast %get3A_292 : vector<1x16xf32> to vector<16xf32>
        %get3A_294 = arith.constant 36 : i32
        %get3A_295 = arith.index_cast %get3A_294 : i32 to index
        %get3A_296 = arith.index_cast %mul3A_107 : i32 to index
        %get3A_297 = tpu.vector_load %arg7[%get3A_295, %get3A_296] {strides = array<i32>} : memref<64x512xf32, #tpu.memory_space<vmem>>, vector<1x16xf32>,
        %get3A_298 = vector.shape_cast %get3A_297 : vector<1x16xf32> to vector<16xf32>
        %get3A_299 = arith.constant 37 : i32
        %get3A_300 = arith.index_cast %get3A_299 : i32 to index
        %get3A_301 = arith.index_cast %mul3A_107 : i32 to index
        %get3A_302 = tpu.vector_load %arg7[%get3A_300, %get3A_301] {strides = array<i32>} : memref<64x512xf32, #tpu.memory_space<vmem>>, vector<1x16xf32>,
        %get3A_303 = vector.shape_cast %get3A_302 : vector<1x16xf32> to vector<16xf32>
        %get3A_304 = arith.constant 38 : i32
        %get3A_305 = arith.index_cast %get3A_304 : i32 to index
        %get3A_306 = arith.index_cast %mul3A_107 : i32 to index
        %get3A_307 = tpu.vector_load %arg7[%get3A_305, %get3A_306] {strides = array<i32>} : memref<64x512xf32, #tpu.memory_space<vmem>>, vector<1x16xf32>,
        %get3A_308 = vector.shape_cast %get3A_307 : vector<1x16xf32> to vector<16xf32>
        %get3A_309 = arith.constant 39 : i32
        %get3A_310 = arith.index_cast %get3A_309 : i32 to index
        %get3A_311 = arith.index_cast %mul3A_107 : i32 to index
        %get3A_312 = tpu.vector_load %arg7[%get3A_310, %get3A_311] {strides = array<i32>} : memref<64x512xf32, #tpu.memory_space<vmem>>, vector<1x16xf32>,
        %get3A_313 = vector.shape_cast %get3A_312 : vector<1x16xf32> to vector<16xf32>
        %get3A_314 = arith.constant 40 : i32
        %get3A_315 = arith.index_cast %get3A_314 : i32 to index
        %get3A_316 = arith.index_cast %mul3A_107 : i32 to index
        %get3A_317 = tpu.vector_load %arg7[%get3A_315, %get3A_316] {strides = array<i32>} : memref<64x512xf32, #tpu.memory_space<vmem>>, vector<1x16xf32>,
        %get3A_318 = vector.shape_cast %get3A_317 : vector<1x16xf32> to vector<16xf32>
        %get3A_319 = arith.constant 41 : i32
        %get3A_320 = arith.index_cast %get3A_319 : i32 to index
        %get3A_321 = arith.index_cast %mul3A_107 : i32 to index
        %get3A_322 = tpu.vector_load %arg7[%get3A_320, %get3A_321] {strides = array<i32>} : memref<64x512xf32, #tpu.memory_space<vmem>>, vector<1x16xf32>,
        %get3A_323 = vector.shape_cast %get3A_322 : vector<1x16xf32> to vector<16xf32>
        %get3A_324 = arith.constant 42 : i32
        %get3A_325 = arith.index_cast %get3A_324 : i32 to index
        %get3A_326 = arith.index_cast %mul3A_107 : i32 to index
        %get3A_327 = tpu.vector_load %arg7[%get3A_325, %get3A_326] {strides = array<i32>} : memref<64x512xf32, #tpu.memory_space<vmem>>, vector<1x16xf32>,
        %get3A_328 = vector.shape_cast %get3A_327 : vector<1x16xf32> to vector<16xf32>
        %get3A_329 = arith.constant 43 : i32
        %get3A_330 = arith.index_cast %get3A_329 : i32 to index
        %get3A_331 = arith.index_cast %mul3A_107 : i32 to index
        %get3A_332 = tpu.vector_load %arg7[%get3A_330, %get3A_331] {strides = array<i32>} : memref<64x512xf32, #tpu.memory_space<vmem>>, vector<1x16xf32>,
        %get3A_333 = vector.shape_cast %get3A_332 : vector<1x16xf32> to vector<16xf32>
        %get3A_334 = arith.constant 44 : i32
        %get3A_335 = arith.index_cast %get3A_334 : i32 to index
        %get3A_336 = arith.index_cast %mul3A_107 : i32 to index
        %get3A_337 = tpu.vector_load %arg7[%get3A_335, %get3A_336] {strides = array<i32>} : memref<64x512xf32, #tpu.memory_space<vmem>>, vector<1x16xf32>,
        %get3A_338 = vector.shape_cast %get3A_337 : vector<1x16xf32> to vector<16xf32>
        %get3A_339 = arith.constant 45 : i32
        %get3A_340 = arith.index_cast %get3A_339 : i32 to index
        %get3A_341 = arith.index_cast %mul3A_107 : i32 to index
        %get3A_342 = tpu.vector_load %arg7[%get3A_340, %get3A_341] {strides = array<i32>} : memref<64x512xf32, #tpu.memory_space<vmem>>, vector<1x16xf32>,
        %get3A_343 = vector.shape_cast %get3A_342 : vector<1x16xf32> to vector<16xf32>
        %get3A_344 = arith.constant 46 : i32
        %get3A_345 = arith.index_cast %get3A_344 : i32 to index
        %get3A_346 = arith.index_cast %mul3A_107 : i32 to index
        %get3A_347 = tpu.vector_load %arg7[%get3A_345, %get3A_346] {strides = array<i32>} : memref<64x512xf32, #tpu.memory_space<vmem>>, vector<1x16xf32>,
        %get3A_348 = vector.shape_cast %get3A_347 : vector<1x16xf32> to vector<16xf32>
        %get3A_349 = arith.constant 47 : i32
        %get3A_350 = arith.index_cast %get3A_349 : i32 to index
        %get3A_351 = arith.index_cast %mul3A_107 : i32 to index
        %get3A_352 = tpu.vector_load %arg7[%get3A_350, %get3A_351] {strides = array<i32>} : memref<64x512xf32, #tpu.memory_space<vmem>>, vector<1x16xf32>,
        %get3A_353 = vector.shape_cast %get3A_352 : vector<1x16xf32> to vector<16xf32>
        %get3A_354 = arith.constant 48 : i32
        %get3A_355 = arith.index_cast %get3A_354 : i32 to index
        %get3A_356 = arith.index_cast %mul3A_107 : i32 to index
        %get3A_357 = tpu.vector_load %arg7[%get3A_355, %get3A_356] {strides = array<i32>} : memref<64x512xf32, #tpu.memory_space<vmem>>, vector<1x16xf32>,
        %get3A_358 = vector.shape_cast %get3A_357 : vector<1x16xf32> to vector<16xf32>
        %get3A_359 = arith.constant 49 : i32
        %get3A_360 = arith.index_cast %get3A_359 : i32 to index
        %get3A_361 = arith.index_cast %mul3A_107 : i32 to index
        %get3A_362 = tpu.vector_load %arg7[%get3A_360, %get3A_361] {strides = array<i32>} : memref<64x512xf32, #tpu.memory_space<vmem>>, vector<1x16xf32>,
        %get3A_363 = vector.shape_cast %get3A_362 : vector<1x16xf32> to vector<16xf32>
        %get3A_364 = arith.constant 50 : i32
        %get3A_365 = arith.index_cast %get3A_364 : i32 to index
        %get3A_366 = arith.index_cast %mul3A_107 : i32 to index
        %get3A_367 = tpu.vector_load %arg7[%get3A_365, %get3A_366] {strides = array<i32>} : memref<64x512xf32, #tpu.memory_space<vmem>>, vector<1x16xf32>,
        %get3A_368 = vector.shape_cast %get3A_367 : vector<1x16xf32> to vector<16xf32>
        %get3A_369 = arith.constant 51 : i32
        %get3A_370 = arith.index_cast %get3A_369 : i32 to index
        %get3A_371 = arith.index_cast %mul3A_107 : i32 to index
        %get3A_372 = tpu.vector_load %arg7[%get3A_370, %get3A_371] {strides = array<i32>} : memref<64x512xf32, #tpu.memory_space<vmem>>, vector<1x16xf32>,
        %get3A_373 = vector.shape_cast %get3A_372 : vector<1x16xf32> to vector<16xf32>
        %get3A_374 = arith.constant 52 : i32
        %get3A_375 = arith.index_cast %get3A_374 : i32 to index
        %get3A_376 = arith.index_cast %mul3A_107 : i32 to index
        %get3A_377 = tpu.vector_load %arg7[%get3A_375, %get3A_376] {strides = array<i32>} : memref<64x512xf32, #tpu.memory_space<vmem>>, vector<1x16xf32>,
        %get3A_378 = vector.shape_cast %get3A_377 : vector<1x16xf32> to vector<16xf32>
        %get3A_379 = arith.constant 53 : i32
        %get3A_380 = arith.index_cast %get3A_379 : i32 to index
        %get3A_381 = arith.index_cast %mul3A_107 : i32 to index
        %get3A_382 = tpu.vector_load %arg7[%get3A_380, %get3A_381] {strides = array<i32>} : memref<64x512xf32, #tpu.memory_space<vmem>>, vector<1x16xf32>,
        %get3A_383 = vector.shape_cast %get3A_382 : vector<1x16xf32> to vector<16xf32>
        %get3A_384 = arith.constant 54 : i32
        %get3A_385 = arith.index_cast %get3A_384 : i32 to index
        %get3A_386 = arith.index_cast %mul3A_107 : i32 to index
        %get3A_387 = tpu.vector_load %arg7[%get3A_385, %get3A_386] {strides = array<i32>} : memref<64x512xf32, #tpu.memory_space<vmem>>, vector<1x16xf32>,
        %get3A_388 = vector.shape_cast %get3A_387 : vector<1x16xf32> to vector<16xf32>
        %get3A_389 = arith.constant 55 : i32
        %get3A_390 = arith.index_cast %get3A_389 : i32 to index
        %get3A_391 = arith.index_cast %mul3A_107 : i32 to index
        %get3A_392 = tpu.vector_load %arg7[%get3A_390, %get3A_391] {strides = array<i32>} : memref<64x512xf32, #tpu.memory_space<vmem>>, vector<1x16xf32>,
        %get3A_393 = vector.shape_cast %get3A_392 : vector<1x16xf32> to vector<16xf32>
        %get3A_394 = arith.constant 56 : i32
        %get3A_395 = arith.index_cast %get3A_394 : i32 to index
        %get3A_396 = arith.index_cast %mul3A_107 : i32 to index
        %get3A_397 = tpu.vector_load %arg7[%get3A_395, %get3A_396] {strides = array<i32>} : memref<64x512xf32, #tpu.memory_space<vmem>>, vector<1x16xf32>,
        %get3A_398 = vector.shape_cast %get3A_397 : vector<1x16xf32> to vector<16xf32>
        %get3A_399 = arith.constant 57 : i32
        %get3A_400 = arith.index_cast %get3A_399 : i32 to index
        %get3A_401 = arith.index_cast %mul3A_107 : i32 to index
        %get3A_402 = tpu.vector_load %arg7[%get3A_400, %get3A_401] {strides = array<i32>} : memref<64x512xf32, #tpu.memory_space<vmem>>, vector<1x16xf32>,
        %get3A_403 = vector.shape_cast %get3A_402 : vector<1x16xf32> to vector<16xf32>
        %get3A_404 = arith.constant 58 : i32
        %get3A_405 = arith.index_cast %get3A_404 : i32 to index
        %get3A_406 = arith.index_cast %mul3A_107 : i32 to index
        %get3A_407 = tpu.vector_load %arg7[%get3A_405, %get3A_406] {strides = array<i32>} : memref<64x512xf32, #tpu.memory_space<vmem>>, vector<1x16xf32>,
        %get3A_408 = vector.shape_cast %get3A_407 : vector<1x16xf32> to vector<16xf32>
        %get3A_409 = arith.constant 59 : i32
        %get3A_410 = arith.index_cast %get3A_409 : i32 to index
        %get3A_411 = arith.index_cast %mul3A_107 : i32 to index
        %get3A_412 = tpu.vector_load %arg7[%get3A_410, %get3A_411] {strides = array<i32>} : memref<64x512xf32, #tpu.memory_space<vmem>>, vector<1x16xf32>,
        %get3A_413 = vector.shape_cast %get3A_412 : vector<1x16xf32> to vector<16xf32>
        %get3A_414 = arith.constant 60 : i32
        %get3A_415 = arith.index_cast %get3A_414 : i32 to index
        %get3A_416 = arith.index_cast %mul3A_107 : i32 to index
        %get3A_417 = tpu.vector_load %arg7[%get3A_415, %get3A_416] {strides = array<i32>} : memref<64x512xf32, #tpu.memory_space<vmem>>, vector<1x16xf32>,
        %get3A_418 = vector.shape_cast %get3A_417 : vector<1x16xf32> to vector<16xf32>
        %get3A_419 = arith.constant 61 : i32
        %get3A_420 = arith.index_cast %get3A_419 : i32 to index
        %get3A_421 = arith.index_cast %mul3A_107 : i32 to index
        %get3A_422 = tpu.vector_load %arg7[%get3A_420, %get3A_421] {strides = array<i32>} : memref<64x512xf32, #tpu.memory_space<vmem>>, vector<1x16xf32>,
        %get3A_423 = vector.shape_cast %get3A_422 : vector<1x16xf32> to vector<16xf32>
        %get3A_424 = arith.constant 62 : i32
        %get3A_425 = arith.index_cast %get3A_424 : i32 to index
        %get3A_426 = arith.index_cast %mul3A_107 : i32 to index
        %get3A_427 = tpu.vector_load %arg7[%get3A_425, %get3A_426] {strides = array<i32>} : memref<64x512xf32, #tpu.memory_space<vmem>>, vector<1x16xf32>,
        %get3A_428 = vector.shape_cast %get3A_427 : vector<1x16xf32> to vector<16xf32>
        %get3A_429 = arith.constant 63 : i32
        %get3A_430 = arith.index_cast %get3A_429 : i32 to index
        %get3A_431 = arith.index_cast %mul3A_107 : i32 to index
        %get3A_432 = tpu.vector_load %arg7[%get3A_430, %get3A_431] {strides = array<i32>} : memref<64x512xf32, #tpu.memory_space<vmem>>, vector<1x16xf32>,
        %get3A_433 = vector.shape_cast %get3A_432 : vector<1x16xf32> to vector<16xf32>
        %shift_right_arithmetic3A = arith.constant 0 : i32
        %shift_right_arithmetic3A_434 = vector.broadcast %shift_right_arithmetic3A : i32 to vector<16xi32>
        %shift_right_arithmetic3A_435 = arith.shrsi %and3A_113, %shift_right_arithmetic3A_434 : vector<16xi32>
        %and3A_436 = arith.constant 1 : i32
        %and3A_437 = vector.broadcast %and3A_436 : i32 to vector<16xi32>
        %and3A_438 = arith.andi %shift_right_arithmetic3A_435, %and3A_437 : vector<16xi32>
        %eq3A = arith.constant 1 : i32
        %eq3A_439 = vector.broadcast %eq3A : i32 to vector<16xi32>
        %eq3A_440 = arith.cmpi eq, %and3A_438, %eq3A_439 : vector<16xi32>
        %select_n3A = arith.select %eq3A_440, %get3A_123, %get3A_118 : vector<16xi1>, vector<16xf32>
        %select_n3A_441 = arith.select %eq3A_440, %get3A_133, %get3A_128 : vector<16xi1>, vector<16xf32>
        %select_n3A_442 = arith.select %eq3A_440, %get3A_143, %get3A_138 : vector<16xi1>, vector<16xf32>
        %select_n3A_443 = arith.select %eq3A_440, %get3A_153, %get3A_148 : vector<16xi1>, vector<16xf32>
        %select_n3A_444 = arith.select %eq3A_440, %get3A_163, %get3A_158 : vector<16xi1>, vector<16xf32>
        %select_n3A_445 = arith.select %eq3A_440, %get3A_173, %get3A_168 : vector<16xi1>, vector<16xf32>
        %select_n3A_446 = arith.select %eq3A_440, %get3A_183, %get3A_178 : vector<16xi1>, vector<16xf32>
        %select_n3A_447 = arith.select %eq3A_440, %get3A_193, %get3A_188 : vector<16xi1>, vector<16xf32>
        %select_n3A_448 = arith.select %eq3A_440, %get3A_203, %get3A_198 : vector<16xi1>, vector<16xf32>
        %select_n3A_449 = arith.select %eq3A_440, %get3A_213, %get3A_208 : vector<16xi1>, vector<16xf32>
        %select_n3A_450 = arith.select %eq3A_440, %get3A_223, %get3A_218 : vector<16xi1>, vector<16xf32>
        %select_n3A_451 = arith.select %eq3A_440, %get3A_233, %get3A_228 : vector<16xi1>, vector<16xf32>
        %select_n3A_452 = arith.select %eq3A_440, %get3A_243, %get3A_238 : vector<16xi1>, vector<16xf32>
        %select_n3A_453 = arith.select %eq3A_440, %get3A_253, %get3A_248 : vector<16xi1>, vector<16xf32>
        %select_n3A_454 = arith.select %eq3A_440, %get3A_263, %get3A_258 : vector<16xi1>, vector<16xf32>
        %select_n3A_455 = arith.select %eq3A_440, %get3A_273, %get3A_268 : vector<16xi1>, vector<16xf32>
        %select_n3A_456 = arith.select %eq3A_440, %get3A_283, %get3A_278 : vector<16xi1>, vector<16xf32>
        %select_n3A_457 = arith.select %eq3A_440, %get3A_293, %get3A_288 : vector<16xi1>, vector<16xf32>
        %select_n3A_458 = arith.select %eq3A_440, %get3A_303, %get3A_298 : vector<16xi1>, vector<16xf32>
        %select_n3A_459 = arith.select %eq3A_440, %get3A_313, %get3A_308 : vector<16xi1>, vector<16xf32>
        %select_n3A_460 = arith.select %eq3A_440, %get3A_323, %get3A_318 : vector<16xi1>, vector<16xf32>
        %select_n3A_461 = arith.select %eq3A_440, %get3A_333, %get3A_328 : vector<16xi1>, vector<16xf32>
        %select_n3A_462 = arith.select %eq3A_440, %get3A_343, %get3A_338 : vector<16xi1>, vector<16xf32>
        %select_n3A_463 = arith.select %eq3A_440, %get3A_353, %get3A_348 : vector<16xi1>, vector<16xf32>
        %select_n3A_464 = arith.select %eq3A_440, %get3A_363, %get3A_358 : vector<16xi1>, vector<16xf32>
        %select_n3A_465 = arith.select %eq3A_440, %get3A_373, %get3A_368 : vector<16xi1>, vector<16xf32>
        %select_n3A_466 = arith.select %eq3A_440, %get3A_383, %get3A_378 : vector<16xi1>, vector<16xf32>
        %select_n3A_467 = arith.select %eq3A_440, %get3A_393, %get3A_388 : vector<16xi1>, vector<16xf32>
        %select_n3A_468 = arith.select %eq3A_440, %get3A_403, %get3A_398 : vector<16xi1>, vector<16xf32>
        %select_n3A_469 = arith.select %eq3A_440, %get3A_413, %get3A_408 : vector<16xi1>, vector<16xf32>
        %select_n3A_470 = arith.select %eq3A_440, %get3A_423, %get3A_418 : vector<16xi1>, vector<16xf32>
        %select_n3A_471 = arith.select %eq3A_440, %get3A_433, %get3A_428 : vector<16xi1>, vector<16xf32>
        %shift_right_arithmetic3A_472 = arith.constant 1 : i32
        %shift_right_arithmetic3A_473 = vector.broadcast %shift_right_arithmetic3A_472 : i32 to vector<16xi32>
        %shift_right_arithmetic3A_474 = arith.shrsi %and3A_113, %shift_right_arithmetic3A_473 : vector<16xi32>
        %and3A_475 = arith.constant 1 : i32
        %and3A_476 = vector.broadcast %and3A_475 : i32 to vector<16xi32>
        %and3A_477 = arith.andi %shift_right_arithmetic3A_474, %and3A_476 : vector<16xi32>
        %eq3A_478 = arith.constant 1 : i32
        %eq3A_479 = vector.broadcast %eq3A_478 : i32 to vector<16xi32>
        %eq3A_480 = arith.cmpi eq, %and3A_477, %eq3A_479 : vector<16xi32>
        %select_n3A_481 = arith.select %eq3A_480, %select_n3A_441, %select_n3A : vector<16xi1>, vector<16xf32>
        %select_n3A_482 = arith.select %eq3A_480, %select_n3A_443, %select_n3A_442 : vector<16xi1>, vector<16xf32>
        %select_n3A_483 = arith.select %eq3A_480, %select_n3A_445, %select_n3A_444 : vector<16xi1>, vector<16xf32>
        %select_n3A_484 = arith.select %eq3A_480, %select_n3A_447, %select_n3A_446 : vector<16xi1>, vector<16xf32>
        %select_n3A_485 = arith.select %eq3A_480, %select_n3A_449, %select_n3A_448 : vector<16xi1>, vector<16xf32>
        %select_n3A_486 = arith.select %eq3A_480, %select_n3A_451, %select_n3A_450 : vector<16xi1>, vector<16xf32>
        %select_n3A_487 = arith.select %eq3A_480, %select_n3A_453, %select_n3A_452 : vector<16xi1>, vector<16xf32>
        %select_n3A_488 = arith.select %eq3A_480, %select_n3A_455, %select_n3A_454 : vector<16xi1>, vector<16xf32>
        %select_n3A_489 = arith.select %eq3A_480, %select_n3A_457, %select_n3A_456 : vector<16xi1>, vector<16xf32>
        %select_n3A_490 = arith.select %eq3A_480, %select_n3A_459, %select_n3A_458 : vector<16xi1>, vector<16xf32>
        %select_n3A_491 = arith.select %eq3A_480, %select_n3A_461, %select_n3A_460 : vector<16xi1>, vector<16xf32>
        %select_n3A_492 = arith.select %eq3A_480, %select_n3A_463, %select_n3A_462 : vector<16xi1>, vector<16xf32>
        %select_n3A_493 = arith.select %eq3A_480, %select_n3A_465, %select_n3A_464 : vector<16xi1>, vector<16xf32>
        %select_n3A_494 = arith.select %eq3A_480, %select_n3A_467, %select_n3A_466 : vector<16xi1>, vector<16xf32>
        %select_n3A_495 = arith.select %eq3A_480, %select_n3A_469, %select_n3A_468 : vector<16xi1>, vector<16xf32>
        %select_n3A_496 = arith.select %eq3A_480, %select_n3A_471, %select_n3A_470 : vector<16xi1>, vector<16xf32>
        %shift_right_arithmetic3A_497 = arith.constant 2 : i32
        %shift_right_arithmetic3A_498 = vector.broadcast %shift_right_arithmetic3A_497 : i32 to vector<16xi32>
        %shift_right_arithmetic3A_499 = arith.shrsi %and3A_113, %shift_right_arithmetic3A_498 : vector<16xi32>
        %and3A_500 = arith.constant 1 : i32
        %and3A_501 = vector.broadcast %and3A_500 : i32 to vector<16xi32>
        %and3A_502 = arith.andi %shift_right_arithmetic3A_499, %and3A_501 : vector<16xi32>
        %eq3A_503 = arith.constant 1 : i32
        %eq3A_504 = vector.broadcast %eq3A_503 : i32 to vector<16xi32>
        %eq3A_505 = arith.cmpi eq, %and3A_502, %eq3A_504 : vector<16xi32>
        %select_n3A_506 = arith.select %eq3A_505, %select_n3A_482, %select_n3A_481 : vector<16xi1>, vector<16xf32>
        %select_n3A_507 = arith.select %eq3A_505, %select_n3A_484, %select_n3A_483 : vector<16xi1>, vector<16xf32>
        %select_n3A_508 = arith.select %eq3A_505, %select_n3A_486, %select_n3A_485 : vector<16xi1>, vector<16xf32>
        %select_n3A_509 = arith.select %eq3A_505, %select_n3A_488, %select_n3A_487 : vector<16xi1>, vector<16xf32>
        %select_n3A_510 = arith.select %eq3A_505, %select_n3A_490, %select_n3A_489 : vector<16xi1>, vector<16xf32>
        %select_n3A_511 = arith.select %eq3A_505, %select_n3A_492, %select_n3A_491 : vector<16xi1>, vector<16xf32>
        %select_n3A_512 = arith.select %eq3A_505, %select_n3A_494, %select_n3A_493 : vector<16xi1>, vector<16xf32>
        %select_n3A_513 = arith.select %eq3A_505, %select_n3A_496, %select_n3A_495 : vector<16xi1>, vector<16xf32>
        %shift_right_arithmetic3A_514 = arith.constant 3 : i32
        %shift_right_arithmetic3A_515 = vector.broadcast %shift_right_arithmetic3A_514 : i32 to vector<16xi32>
        %shift_right_arithmetic3A_516 = arith.shrsi %and3A_113, %shift_right_arithmetic3A_515 : vector<16xi32>
        %and3A_517 = arith.constant 1 : i32
        %and3A_518 = vector.broadcast %and3A_517 : i32 to vector<16xi32>
        %and3A_519 = arith.andi %shift_right_arithmetic3A_516, %and3A_518 : vector<16xi32>
        %eq3A_520 = arith.constant 1 : i32
        %eq3A_521 = vector.broadcast %eq3A_520 : i32 to vector<16xi32>
        %eq3A_522 = arith.cmpi eq, %and3A_519, %eq3A_521 : vector<16xi32>
        %select_n3A_523 = arith.select %eq3A_522, %select_n3A_507, %select_n3A_506 : vector<16xi1>, vector<16xf32>
        %select_n3A_524 = arith.select %eq3A_522, %select_n3A_509, %select_n3A_508 : vector<16xi1>, vector<16xf32>
        %select_n3A_525 = arith.select %eq3A_522, %select_n3A_511, %select_n3A_510 : vector<16xi1>, vector<16xf32>
        %select_n3A_526 = arith.select %eq3A_522, %select_n3A_513, %select_n3A_512 : vector<16xi1>, vector<16xf32>
        %shift_right_arithmetic3A_527 = arith.constant 4 : i32
        %shift_right_arithmetic3A_528 = vector.broadcast %shift_right_arithmetic3A_527 : i32 to vector<16xi32>
        %shift_right_arithmetic3A_529 = arith.shrsi %and3A_113, %shift_right_arithmetic3A_528 : vector<16xi32>
        %and3A_530 = arith.constant 1 : i32
        %and3A_531 = vector.broadcast %and3A_530 : i32 to vector<16xi32>
        %and3A_532 = arith.andi %shift_right_arithmetic3A_529, %and3A_531 : vector<16xi32>
        %eq3A_533 = arith.constant 1 : i32
        %eq3A_534 = vector.broadcast %eq3A_533 : i32 to vector<16xi32>
        %eq3A_535 = arith.cmpi eq, %and3A_532, %eq3A_534 : vector<16xi32>
        %select_n3A_536 = arith.select %eq3A_535, %select_n3A_524, %select_n3A_523 : vector<16xi1>, vector<16xf32>
        %select_n3A_537 = arith.select %eq3A_535, %select_n3A_526, %select_n3A_525 : vector<16xi1>, vector<16xf32>
        %shift_right_arithmetic3A_538 = arith.constant 5 : i32
        %shift_right_arithmetic3A_539 = vector.broadcast %shift_right_arithmetic3A_538 : i32 to vector<16xi32>
        %shift_right_arithmetic3A_540 = arith.shrsi %and3A_113, %shift_right_arithmetic3A_539 : vector<16xi32>
        %and3A_541 = arith.constant 1 : i32
        %and3A_542 = vector.broadcast %and3A_541 : i32 to vector<16xi32>
        %and3A_543 = arith.andi %shift_right_arithmetic3A_540, %and3A_542 : vector<16xi32>
        %eq3A_544 = arith.constant 1 : i32
        %eq3A_545 = vector.broadcast %eq3A_544 : i32 to vector<16xi32>
        %eq3A_546 = arith.cmpi eq, %and3A_543, %eq3A_545 : vector<16xi32>
        %select_n3A_547 = arith.select %eq3A_546, %select_n3A_537, %select_n3A_536 : vector<16xi1>, vector<16xf32>
        %eq3A_548 = arith.cmpi eq, %and3A_113, %and3A_9 : vector<16xi32>
        %get3A_549 = arith.index_cast %mul3A_107 : i32 to index
        %get3A_550 = tpu.vector_load %arg11[%get3A_549] {strides = array<i32>} : memref<512xf32, #tpu.memory_space<vmem>>, vector<16xf32>,
        %get3A_551 = vector.shape_cast %get3A_550 : vector<16xf32> to vector<16xf32>
        %select_n3A_552 = arith.select %eq3A_548, %get3A_551, %select_n3A_547 : vector<16xi1>, vector<16xf32>
        %swap3A = arith.index_cast %mul3A_107 : i32 to index
        %swap3A_553 = tpu.vector_load %arg13[%swap3A] {strides = array<i32>} : memref<512xf32, #tpu.memory_space<vmem>>, vector<16xf32>,
        %swap3A_554 = vector.shape_cast %swap3A_553 : vector<16xf32> to vector<16xf32>
        %swap3A_555 = vector.shape_cast %select_n3A_552 : vector<16xf32> to vector<16xf32>
        tpu.vector_store %arg13[%swap3A], %swap3A_555 {strides = array<i32>} : memref<512xf32, #tpu.memory_space<vmem>>, vector<16xf32>,
      }
      %scan3A_63 = arith.constant 32 : i32
      %mul3A_64 = arith.constant 512 : i32
      %mul3A_65 = arith.muli %mul3A_29, %mul3A_64 : i32
      %add3A_66 = arith.addi %mul3A_2, %mul3A_65 : i32
      %multiple_of3A_67 = tpu.assume_multiple %add3A_66, 512 : i32
      %dma_start3A_68 = tpu.memref_slice %arg6[%multiple_of3A_67] : memref<589824xf32, #tpu.memory_space<hbm>> -> memref<512xf32, #tpu.memory_space<hbm>>
      %dma_start3A_69 = tpu.memref_slice %arg6[%multiple_of3A_67] : memref<589824xf32, #tpu.memory_space<hbm>> -> memref<512xf32, #tpu.memory_space<hbm>>
      tpu.enqueue_dma source(%arg13 : memref<512xf32, #tpu.memory_space<vmem>>) target(%dma_start3A_69 : memref<512xf32, #tpu.memory_space<hbm>>) target_semaphore(%arg17 : memref<!tpu.dma_semaphore, #tpu.memory_space<semaphore_mem>>)
      %add3A_70 = arith.constant 1 : i32
      %add3A_71 = arith.addi %add3A_31, %add3A_70 : i32
      %lt3A = arith.constant 36 : i32
      %lt3A_72 = arith.cmpi slt, %add3A_71, %lt3A : i32
      %convert_element_type3A_73 = arith.extui %lt3A_72 : i1 to i32
      %cond3A_74 = arith.constant 0 : i32
      %cond3A_75 = arith.cmpi ne, %convert_element_type3A_73, %cond3A_74 : i32
      scf.if %cond3A_75 {
        %add3A_105 = arith.constant 2 : i32
        %add3A_106 = arith.addi %mul3A_29, %add3A_105 : i32
        %mul3A_107 = arith.constant 512 : i32
        %mul3A_108 = arith.muli %add3A_106, %mul3A_107 : i32
        %add3A_109 = arith.addi %mul3A_2, %mul3A_108 : i32
        %multiple_of3A_110 = tpu.assume_multiple %add3A_109, 512 : i32
        %dma_start3A_111 = arith.constant 0 : i32
        %dma_start3A_112 = tpu.memref_slice %arg2[%dma_start3A_111, %multiple_of3A_110] : memref<64x1000000xf32, #tpu.memory_space<hbm>> -> memref<64x512xf32, #tpu.memory_space<hbm>>
        %dma_start3A_113 = arith.constant 0 : i32
        %dma_start3A_114 = tpu.memref_slice %arg2[%dma_start3A_113, %multiple_of3A_110] : memref<64x1000000xf32, #tpu.memory_space<hbm>> -> memref<64x512xf32, #tpu.memory_space<hbm>>
        tpu.enqueue_dma source(%dma_start3A_114 : memref<64x512xf32, #tpu.memory_space<hbm>>) target(%arg7 : memref<64x512xf32, #tpu.memory_space<vmem>>) target_semaphore(%arg16 : memref<!tpu.dma_semaphore, #tpu.memory_space<semaphore_mem>>)
        %dma_start3A_115 = tpu.memref_slice %arg3[%multiple_of3A_110] : memref<1000000xi32, #tpu.memory_space<hbm>> -> memref<512xi32, #tpu.memory_space<hbm>>
        %dma_start3A_116 = tpu.memref_slice %arg3[%multiple_of3A_110] : memref<1000000xi32, #tpu.memory_space<hbm>> -> memref<512xi32, #tpu.memory_space<hbm>>
        tpu.enqueue_dma source(%dma_start3A_116 : memref<512xi32, #tpu.memory_space<hbm>>) target(%arg9 : memref<512xi32, #tpu.memory_space<vmem>>) target_semaphore(%arg16 : memref<!tpu.dma_semaphore, #tpu.memory_space<semaphore_mem>>)
        %dma_start3A_117 = tpu.memref_slice %arg4[%multiple_of3A_110] : memref<1000000xf32, #tpu.memory_space<hbm>> -> memref<512xf32, #tpu.memory_space<hbm>>
        %dma_start3A_118 = tpu.memref_slice %arg4[%multiple_of3A_110] : memref<1000000xf32, #tpu.memory_space<hbm>> -> memref<512xf32, #tpu.memory_space<hbm>>
        tpu.enqueue_dma source(%dma_start3A_118 : memref<512xf32, #tpu.memory_space<hbm>>) target(%arg11 : memref<512xf32, #tpu.memory_space<vmem>>) target_semaphore(%arg16 : memref<!tpu.dma_semaphore, #tpu.memory_space<semaphore_mem>>)
      } else {
      }
      %mul3A_76 = arith.constant 512 : i32
      %mul3A_77 = arith.muli %add3A_31, %mul3A_76 : i32
      %add3A_78 = arith.addi %mul3A_2, %mul3A_77 : i32
      %multiple_of3A_79 = tpu.assume_multiple %add3A_78, 512 : i32
      %dma_wait3A_80 = arith.constant 0 : i32
      %dma_wait3A_81 = tpu.memref_slice %arg2[%dma_wait3A_80, %multiple_of3A_79] : memref<64x1000000xf32, #tpu.memory_space<hbm>> -> memref<64x512xf32, #tpu.memory_space<hbm>>
      %dma_wait3A_82 = arith.constant 0 : i32
      %dma_wait3A_83 = tpu.memref_slice %arg2[%dma_wait3A_82, %multiple_of3A_79] : memref<64x1000000xf32, #tpu.memory_space<hbm>> -> memref<64x512xf32, #tpu.memory_space<hbm>>
      tpu.wait_dma2 semaphore(%arg16 : memref<!tpu.dma_semaphore, #tpu.memory_space<semaphore_mem>>) src(%dma_wait3A_83 : memref<64x512xf32, #tpu.memory_space<hbm>>) dst(%arg8 : memref<64x512xf32, #tpu.memory_space<vmem>>)
      %dma_wait3A_84 = tpu.memref_slice %arg3[%multiple_of3A_79] : memref<1000000xi32, #tpu.memory_space<hbm>> -> memref<512xi32, #tpu.memory_space<hbm>>
      %dma_wait3A_85 = tpu.memref_slice %arg3[%multiple_of3A_79] : memref<1000000xi32, #tpu.memory_space<hbm>> -> memref<512xi32, #tpu.memory_space<hbm>>
      tpu.wait_dma2 semaphore(%arg16 : memref<!tpu.dma_semaphore, #tpu.memory_space<semaphore_mem>>) src(%dma_wait3A_85 : memref<512xi32, #tpu.memory_space<hbm>>) dst(%arg10 : memref<512xi32, #tpu.memory_space<vmem>>)
      %dma_wait3A_86 = tpu.memref_slice %arg4[%multiple_of3A_79] : memref<1000000xf32, #tpu.memory_space<hbm>> -> memref<512xf32, #tpu.memory_space<hbm>>
      %dma_wait3A_87 = tpu.memref_slice %arg4[%multiple_of3A_79] : memref<1000000xf32, #tpu.memory_space<hbm>> -> memref<512xf32, #tpu.memory_space<hbm>>
      tpu.wait_dma2 semaphore(%arg16 : memref<!tpu.dma_semaphore, #tpu.memory_space<semaphore_mem>>) src(%dma_wait3A_87 : memref<512xf32, #tpu.memory_space<hbm>>) dst(%arg12 : memref<512xf32, #tpu.memory_space<vmem>>)
      %ge3A_88 = arith.constant 1 : i32
      %ge3A_89 = arith.cmpi sge, %scan3A_27, %ge3A_88 : i32
      %convert_element_type3A_90 = arith.extui %ge3A_89 : i1 to i32
      %cond3A_91 = arith.constant 0 : i32
      %cond3A_92 = arith.cmpi ne, %convert_element_type3A_90, %cond3A_91 : i32
      scf.if %cond3A_92 {
        %dma_wait3A_105 = tpu.memref_slice %arg6[%mul3A_2] : memref<589824xf32, #tpu.memory_space<hbm>> -> memref<512xf32, #tpu.memory_space<hbm>>
        %dma_wait3A_106 = tpu.memref_slice %arg6[%mul3A_2] : memref<589824xf32, #tpu.memory_space<hbm>> -> memref<512xf32, #tpu.memory_space<hbm>>
        tpu.wait_dma2 semaphore(%arg17 : memref<!tpu.dma_semaphore, #tpu.memory_space<semaphore_mem>>) src(%arg13 : memref<512xf32, #tpu.memory_space<vmem>>) dst(%dma_wait3A_106 : memref<512xf32, #tpu.memory_space<hbm>>)
      } else {
      }
      %scan3A_93 = arith.constant 0 : i32
      %scan3A_94 = arith.constant 0 : i32
      %scan3A_95 = arith.constant 32 : i32
      %scan3A_96 = arith.addi %scan3A_94, %scan3A_95 : i32
      %scan3A_97 = arith.constant 1 : i32
      scf.for %scan3A_105 = %scan3A_94 to %scan3A_96 step %scan3A_97  : i32 {
        %mul3A_106 = arith.constant 16 : i32
        %mul3A_107 = arith.muli %scan3A_105, %mul3A_106 : i32
        %get3A_108 = arith.index_cast %mul3A_107 : i32 to index
        %get3A_109 = tpu.vector_load %arg10[%get3A_108] {strides = array<i32>} : memref<512xi32, #tpu.memory_space<vmem>>, vector<16xi32>,
        %get3A_110 = vector.shape_cast %get3A_109 : vector<16xi32> to vector<16xi32>
        %sub3A = arith.subi %add3A_7, %get3A_110 : vector<16xi32>
        %and3A_111 = arith.constant 63 : i32
        %and3A_112 = vector.broadcast %and3A_111 : i32 to vector<16xi32>
        %and3A_113 = arith.andi %sub3A, %and3A_112 : vector<16xi32>
        %get3A_114 = arith.constant 0 : i32
        %get3A_115 = arith.index_cast %get3A_114 : i32 to index
        %get3A_116 = arith.index_cast %mul3A_107 : i32 to index
        %get3A_117 = tpu.vector_load %arg8[%get3A_115, %get3A_116] {strides = array<i32>} : memref<64x512xf32, #tpu.memory_space<vmem>>, vector<1x16xf32>,
        %get3A_118 = vector.shape_cast %get3A_117 : vector<1x16xf32> to vector<16xf32>
        %get3A_119 = arith.constant 1 : i32
        %get3A_120 = arith.index_cast %get3A_119 : i32 to index
        %get3A_121 = arith.index_cast %mul3A_107 : i32 to index
        %get3A_122 = tpu.vector_load %arg8[%get3A_120, %get3A_121] {strides = array<i32>} : memref<64x512xf32, #tpu.memory_space<vmem>>, vector<1x16xf32>,
        %get3A_123 = vector.shape_cast %get3A_122 : vector<1x16xf32> to vector<16xf32>
        %get3A_124 = arith.constant 2 : i32
        %get3A_125 = arith.index_cast %get3A_124 : i32 to index
        %get3A_126 = arith.index_cast %mul3A_107 : i32 to index
        %get3A_127 = tpu.vector_load %arg8[%get3A_125, %get3A_126] {strides = array<i32>} : memref<64x512xf32, #tpu.memory_space<vmem>>, vector<1x16xf32>,
        %get3A_128 = vector.shape_cast %get3A_127 : vector<1x16xf32> to vector<16xf32>
        %get3A_129 = arith.constant 3 : i32
        %get3A_130 = arith.index_cast %get3A_129 : i32 to index
        %get3A_131 = arith.index_cast %mul3A_107 : i32 to index
        %get3A_132 = tpu.vector_load %arg8[%get3A_130, %get3A_131] {strides = array<i32>} : memref<64x512xf32, #tpu.memory_space<vmem>>, vector<1x16xf32>,
        %get3A_133 = vector.shape_cast %get3A_132 : vector<1x16xf32> to vector<16xf32>
        %get3A_134 = arith.constant 4 : i32
        %get3A_135 = arith.index_cast %get3A_134 : i32 to index
        %get3A_136 = arith.index_cast %mul3A_107 : i32 to index
        %get3A_137 = tpu.vector_load %arg8[%get3A_135, %get3A_136] {strides = array<i32>} : memref<64x512xf32, #tpu.memory_space<vmem>>, vector<1x16xf32>,
        %get3A_138 = vector.shape_cast %get3A_137 : vector<1x16xf32> to vector<16xf32>
        %get3A_139 = arith.constant 5 : i32
        %get3A_140 = arith.index_cast %get3A_139 : i32 to index
        %get3A_141 = arith.index_cast %mul3A_107 : i32 to index
        %get3A_142 = tpu.vector_load %arg8[%get3A_140, %get3A_141] {strides = array<i32>} : memref<64x512xf32, #tpu.memory_space<vmem>>, vector<1x16xf32>,
        %get3A_143 = vector.shape_cast %get3A_142 : vector<1x16xf32> to vector<16xf32>
        %get3A_144 = arith.constant 6 : i32
        %get3A_145 = arith.index_cast %get3A_144 : i32 to index
        %get3A_146 = arith.index_cast %mul3A_107 : i32 to index
        %get3A_147 = tpu.vector_load %arg8[%get3A_145, %get3A_146] {strides = array<i32>} : memref<64x512xf32, #tpu.memory_space<vmem>>, vector<1x16xf32>,
        %get3A_148 = vector.shape_cast %get3A_147 : vector<1x16xf32> to vector<16xf32>
        %get3A_149 = arith.constant 7 : i32
        %get3A_150 = arith.index_cast %get3A_149 : i32 to index
        %get3A_151 = arith.index_cast %mul3A_107 : i32 to index
        %get3A_152 = tpu.vector_load %arg8[%get3A_150, %get3A_151] {strides = array<i32>} : memref<64x512xf32, #tpu.memory_space<vmem>>, vector<1x16xf32>,
        %get3A_153 = vector.shape_cast %get3A_152 : vector<1x16xf32> to vector<16xf32>
        %get3A_154 = arith.constant 8 : i32
        %get3A_155 = arith.index_cast %get3A_154 : i32 to index
        %get3A_156 = arith.index_cast %mul3A_107 : i32 to index
        %get3A_157 = tpu.vector_load %arg8[%get3A_155, %get3A_156] {strides = array<i32>} : memref<64x512xf32, #tpu.memory_space<vmem>>, vector<1x16xf32>,
        %get3A_158 = vector.shape_cast %get3A_157 : vector<1x16xf32> to vector<16xf32>
        %get3A_159 = arith.constant 9 : i32
        %get3A_160 = arith.index_cast %get3A_159 : i32 to index
        %get3A_161 = arith.index_cast %mul3A_107 : i32 to index
        %get3A_162 = tpu.vector_load %arg8[%get3A_160, %get3A_161] {strides = array<i32>} : memref<64x512xf32, #tpu.memory_space<vmem>>, vector<1x16xf32>,
        %get3A_163 = vector.shape_cast %get3A_162 : vector<1x16xf32> to vector<16xf32>
        %get3A_164 = arith.constant 10 : i32
        %get3A_165 = arith.index_cast %get3A_164 : i32 to index
        %get3A_166 = arith.index_cast %mul3A_107 : i32 to index
        %get3A_167 = tpu.vector_load %arg8[%get3A_165, %get3A_166] {strides = array<i32>} : memref<64x512xf32, #tpu.memory_space<vmem>>, vector<1x16xf32>,
        %get3A_168 = vector.shape_cast %get3A_167 : vector<1x16xf32> to vector<16xf32>
        %get3A_169 = arith.constant 11 : i32
        %get3A_170 = arith.index_cast %get3A_169 : i32 to index
        %get3A_171 = arith.index_cast %mul3A_107 : i32 to index
        %get3A_172 = tpu.vector_load %arg8[%get3A_170, %get3A_171] {strides = array<i32>} : memref<64x512xf32, #tpu.memory_space<vmem>>, vector<1x16xf32>,
        %get3A_173 = vector.shape_cast %get3A_172 : vector<1x16xf32> to vector<16xf32>
        %get3A_174 = arith.constant 12 : i32
        %get3A_175 = arith.index_cast %get3A_174 : i32 to index
        %get3A_176 = arith.index_cast %mul3A_107 : i32 to index
        %get3A_177 = tpu.vector_load %arg8[%get3A_175, %get3A_176] {strides = array<i32>} : memref<64x512xf32, #tpu.memory_space<vmem>>, vector<1x16xf32>,
        %get3A_178 = vector.shape_cast %get3A_177 : vector<1x16xf32> to vector<16xf32>
        %get3A_179 = arith.constant 13 : i32
        %get3A_180 = arith.index_cast %get3A_179 : i32 to index
        %get3A_181 = arith.index_cast %mul3A_107 : i32 to index
        %get3A_182 = tpu.vector_load %arg8[%get3A_180, %get3A_181] {strides = array<i32>} : memref<64x512xf32, #tpu.memory_space<vmem>>, vector<1x16xf32>,
        %get3A_183 = vector.shape_cast %get3A_182 : vector<1x16xf32> to vector<16xf32>
        %get3A_184 = arith.constant 14 : i32
        %get3A_185 = arith.index_cast %get3A_184 : i32 to index
        %get3A_186 = arith.index_cast %mul3A_107 : i32 to index
        %get3A_187 = tpu.vector_load %arg8[%get3A_185, %get3A_186] {strides = array<i32>} : memref<64x512xf32, #tpu.memory_space<vmem>>, vector<1x16xf32>,
        %get3A_188 = vector.shape_cast %get3A_187 : vector<1x16xf32> to vector<16xf32>
        %get3A_189 = arith.constant 15 : i32
        %get3A_190 = arith.index_cast %get3A_189 : i32 to index
        %get3A_191 = arith.index_cast %mul3A_107 : i32 to index
        %get3A_192 = tpu.vector_load %arg8[%get3A_190, %get3A_191] {strides = array<i32>} : memref<64x512xf32, #tpu.memory_space<vmem>>, vector<1x16xf32>,
        %get3A_193 = vector.shape_cast %get3A_192 : vector<1x16xf32> to vector<16xf32>
        %get3A_194 = arith.constant 16 : i32
        %get3A_195 = arith.index_cast %get3A_194 : i32 to index
        %get3A_196 = arith.index_cast %mul3A_107 : i32 to index
        %get3A_197 = tpu.vector_load %arg8[%get3A_195, %get3A_196] {strides = array<i32>} : memref<64x512xf32, #tpu.memory_space<vmem>>, vector<1x16xf32>,
        %get3A_198 = vector.shape_cast %get3A_197 : vector<1x16xf32> to vector<16xf32>
        %get3A_199 = arith.constant 17 : i32
        %get3A_200 = arith.index_cast %get3A_199 : i32 to index
        %get3A_201 = arith.index_cast %mul3A_107 : i32 to index
        %get3A_202 = tpu.vector_load %arg8[%get3A_200, %get3A_201] {strides = array<i32>} : memref<64x512xf32, #tpu.memory_space<vmem>>, vector<1x16xf32>,
        %get3A_203 = vector.shape_cast %get3A_202 : vector<1x16xf32> to vector<16xf32>
        %get3A_204 = arith.constant 18 : i32
        %get3A_205 = arith.index_cast %get3A_204 : i32 to index
        %get3A_206 = arith.index_cast %mul3A_107 : i32 to index
        %get3A_207 = tpu.vector_load %arg8[%get3A_205, %get3A_206] {strides = array<i32>} : memref<64x512xf32, #tpu.memory_space<vmem>>, vector<1x16xf32>,
        %get3A_208 = vector.shape_cast %get3A_207 : vector<1x16xf32> to vector<16xf32>
        %get3A_209 = arith.constant 19 : i32
        %get3A_210 = arith.index_cast %get3A_209 : i32 to index
        %get3A_211 = arith.index_cast %mul3A_107 : i32 to index
        %get3A_212 = tpu.vector_load %arg8[%get3A_210, %get3A_211] {strides = array<i32>} : memref<64x512xf32, #tpu.memory_space<vmem>>, vector<1x16xf32>,
        %get3A_213 = vector.shape_cast %get3A_212 : vector<1x16xf32> to vector<16xf32>
        %get3A_214 = arith.constant 20 : i32
        %get3A_215 = arith.index_cast %get3A_214 : i32 to index
        %get3A_216 = arith.index_cast %mul3A_107 : i32 to index
        %get3A_217 = tpu.vector_load %arg8[%get3A_215, %get3A_216] {strides = array<i32>} : memref<64x512xf32, #tpu.memory_space<vmem>>, vector<1x16xf32>,
        %get3A_218 = vector.shape_cast %get3A_217 : vector<1x16xf32> to vector<16xf32>
        %get3A_219 = arith.constant 21 : i32
        %get3A_220 = arith.index_cast %get3A_219 : i32 to index
        %get3A_221 = arith.index_cast %mul3A_107 : i32 to index
        %get3A_222 = tpu.vector_load %arg8[%get3A_220, %get3A_221] {strides = array<i32>} : memref<64x512xf32, #tpu.memory_space<vmem>>, vector<1x16xf32>,
        %get3A_223 = vector.shape_cast %get3A_222 : vector<1x16xf32> to vector<16xf32>
        %get3A_224 = arith.constant 22 : i32
        %get3A_225 = arith.index_cast %get3A_224 : i32 to index
        %get3A_226 = arith.index_cast %mul3A_107 : i32 to index
        %get3A_227 = tpu.vector_load %arg8[%get3A_225, %get3A_226] {strides = array<i32>} : memref<64x512xf32, #tpu.memory_space<vmem>>, vector<1x16xf32>,
        %get3A_228 = vector.shape_cast %get3A_227 : vector<1x16xf32> to vector<16xf32>
        %get3A_229 = arith.constant 23 : i32
        %get3A_230 = arith.index_cast %get3A_229 : i32 to index
        %get3A_231 = arith.index_cast %mul3A_107 : i32 to index
        %get3A_232 = tpu.vector_load %arg8[%get3A_230, %get3A_231] {strides = array<i32>} : memref<64x512xf32, #tpu.memory_space<vmem>>, vector<1x16xf32>,
        %get3A_233 = vector.shape_cast %get3A_232 : vector<1x16xf32> to vector<16xf32>
        %get3A_234 = arith.constant 24 : i32
        %get3A_235 = arith.index_cast %get3A_234 : i32 to index
        %get3A_236 = arith.index_cast %mul3A_107 : i32 to index
        %get3A_237 = tpu.vector_load %arg8[%get3A_235, %get3A_236] {strides = array<i32>} : memref<64x512xf32, #tpu.memory_space<vmem>>, vector<1x16xf32>,
        %get3A_238 = vector.shape_cast %get3A_237 : vector<1x16xf32> to vector<16xf32>
        %get3A_239 = arith.constant 25 : i32
        %get3A_240 = arith.index_cast %get3A_239 : i32 to index
        %get3A_241 = arith.index_cast %mul3A_107 : i32 to index
        %get3A_242 = tpu.vector_load %arg8[%get3A_240, %get3A_241] {strides = array<i32>} : memref<64x512xf32, #tpu.memory_space<vmem>>, vector<1x16xf32>,
        %get3A_243 = vector.shape_cast %get3A_242 : vector<1x16xf32> to vector<16xf32>
        %get3A_244 = arith.constant 26 : i32
        %get3A_245 = arith.index_cast %get3A_244 : i32 to index
        %get3A_246 = arith.index_cast %mul3A_107 : i32 to index
        %get3A_247 = tpu.vector_load %arg8[%get3A_245, %get3A_246] {strides = array<i32>} : memref<64x512xf32, #tpu.memory_space<vmem>>, vector<1x16xf32>,
        %get3A_248 = vector.shape_cast %get3A_247 : vector<1x16xf32> to vector<16xf32>
        %get3A_249 = arith.constant 27 : i32
        %get3A_250 = arith.index_cast %get3A_249 : i32 to index
        %get3A_251 = arith.index_cast %mul3A_107 : i32 to index
        %get3A_252 = tpu.vector_load %arg8[%get3A_250, %get3A_251] {strides = array<i32>} : memref<64x512xf32, #tpu.memory_space<vmem>>, vector<1x16xf32>,
        %get3A_253 = vector.shape_cast %get3A_252 : vector<1x16xf32> to vector<16xf32>
        %get3A_254 = arith.constant 28 : i32
        %get3A_255 = arith.index_cast %get3A_254 : i32 to index
        %get3A_256 = arith.index_cast %mul3A_107 : i32 to index
        %get3A_257 = tpu.vector_load %arg8[%get3A_255, %get3A_256] {strides = array<i32>} : memref<64x512xf32, #tpu.memory_space<vmem>>, vector<1x16xf32>,
        %get3A_258 = vector.shape_cast %get3A_257 : vector<1x16xf32> to vector<16xf32>
        %get3A_259 = arith.constant 29 : i32
        %get3A_260 = arith.index_cast %get3A_259 : i32 to index
        %get3A_261 = arith.index_cast %mul3A_107 : i32 to index
        %get3A_262 = tpu.vector_load %arg8[%get3A_260, %get3A_261] {strides = array<i32>} : memref<64x512xf32, #tpu.memory_space<vmem>>, vector<1x16xf32>,
        %get3A_263 = vector.shape_cast %get3A_262 : vector<1x16xf32> to vector<16xf32>
        %get3A_264 = arith.constant 30 : i32
        %get3A_265 = arith.index_cast %get3A_264 : i32 to index
        %get3A_266 = arith.index_cast %mul3A_107 : i32 to index
        %get3A_267 = tpu.vector_load %arg8[%get3A_265, %get3A_266] {strides = array<i32>} : memref<64x512xf32, #tpu.memory_space<vmem>>, vector<1x16xf32>,
        %get3A_268 = vector.shape_cast %get3A_267 : vector<1x16xf32> to vector<16xf32>
        %get3A_269 = arith.constant 31 : i32
        %get3A_270 = arith.index_cast %get3A_269 : i32 to index
        %get3A_271 = arith.index_cast %mul3A_107 : i32 to index
        %get3A_272 = tpu.vector_load %arg8[%get3A_270, %get3A_271] {strides = array<i32>} : memref<64x512xf32, #tpu.memory_space<vmem>>, vector<1x16xf32>,
        %get3A_273 = vector.shape_cast %get3A_272 : vector<1x16xf32> to vector<16xf32>
        %get3A_274 = arith.constant 32 : i32
        %get3A_275 = arith.index_cast %get3A_274 : i32 to index
        %get3A_276 = arith.index_cast %mul3A_107 : i32 to index
        %get3A_277 = tpu.vector_load %arg8[%get3A_275, %get3A_276] {strides = array<i32>} : memref<64x512xf32, #tpu.memory_space<vmem>>, vector<1x16xf32>,
        %get3A_278 = vector.shape_cast %get3A_277 : vector<1x16xf32> to vector<16xf32>
        %get3A_279 = arith.constant 33 : i32
        %get3A_280 = arith.index_cast %get3A_279 : i32 to index
        %get3A_281 = arith.index_cast %mul3A_107 : i32 to index
        %get3A_282 = tpu.vector_load %arg8[%get3A_280, %get3A_281] {strides = array<i32>} : memref<64x512xf32, #tpu.memory_space<vmem>>, vector<1x16xf32>,
        %get3A_283 = vector.shape_cast %get3A_282 : vector<1x16xf32> to vector<16xf32>
        %get3A_284 = arith.constant 34 : i32
        %get3A_285 = arith.index_cast %get3A_284 : i32 to index
        %get3A_286 = arith.index_cast %mul3A_107 : i32 to index
        %get3A_287 = tpu.vector_load %arg8[%get3A_285, %get3A_286] {strides = array<i32>} : memref<64x512xf32, #tpu.memory_space<vmem>>, vector<1x16xf32>,
        %get3A_288 = vector.shape_cast %get3A_287 : vector<1x16xf32> to vector<16xf32>
        %get3A_289 = arith.constant 35 : i32
        %get3A_290 = arith.index_cast %get3A_289 : i32 to index
        %get3A_291 = arith.index_cast %mul3A_107 : i32 to index
        %get3A_292 = tpu.vector_load %arg8[%get3A_290, %get3A_291] {strides = array<i32>} : memref<64x512xf32, #tpu.memory_space<vmem>>, vector<1x16xf32>,
        %get3A_293 = vector.shape_cast %get3A_292 : vector<1x16xf32> to vector<16xf32>
        %get3A_294 = arith.constant 36 : i32
        %get3A_295 = arith.index_cast %get3A_294 : i32 to index
        %get3A_296 = arith.index_cast %mul3A_107 : i32 to index
        %get3A_297 = tpu.vector_load %arg8[%get3A_295, %get3A_296] {strides = array<i32>} : memref<64x512xf32, #tpu.memory_space<vmem>>, vector<1x16xf32>,
        %get3A_298 = vector.shape_cast %get3A_297 : vector<1x16xf32> to vector<16xf32>
        %get3A_299 = arith.constant 37 : i32
        %get3A_300 = arith.index_cast %get3A_299 : i32 to index
        %get3A_301 = arith.index_cast %mul3A_107 : i32 to index
        %get3A_302 = tpu.vector_load %arg8[%get3A_300, %get3A_301] {strides = array<i32>} : memref<64x512xf32, #tpu.memory_space<vmem>>, vector<1x16xf32>,
        %get3A_303 = vector.shape_cast %get3A_302 : vector<1x16xf32> to vector<16xf32>
        %get3A_304 = arith.constant 38 : i32
        %get3A_305 = arith.index_cast %get3A_304 : i32 to index
        %get3A_306 = arith.index_cast %mul3A_107 : i32 to index
        %get3A_307 = tpu.vector_load %arg8[%get3A_305, %get3A_306] {strides = array<i32>} : memref<64x512xf32, #tpu.memory_space<vmem>>, vector<1x16xf32>,
        %get3A_308 = vector.shape_cast %get3A_307 : vector<1x16xf32> to vector<16xf32>
        %get3A_309 = arith.constant 39 : i32
        %get3A_310 = arith.index_cast %get3A_309 : i32 to index
        %get3A_311 = arith.index_cast %mul3A_107 : i32 to index
        %get3A_312 = tpu.vector_load %arg8[%get3A_310, %get3A_311] {strides = array<i32>} : memref<64x512xf32, #tpu.memory_space<vmem>>, vector<1x16xf32>,
        %get3A_313 = vector.shape_cast %get3A_312 : vector<1x16xf32> to vector<16xf32>
        %get3A_314 = arith.constant 40 : i32
        %get3A_315 = arith.index_cast %get3A_314 : i32 to index
        %get3A_316 = arith.index_cast %mul3A_107 : i32 to index
        %get3A_317 = tpu.vector_load %arg8[%get3A_315, %get3A_316] {strides = array<i32>} : memref<64x512xf32, #tpu.memory_space<vmem>>, vector<1x16xf32>,
        %get3A_318 = vector.shape_cast %get3A_317 : vector<1x16xf32> to vector<16xf32>
        %get3A_319 = arith.constant 41 : i32
        %get3A_320 = arith.index_cast %get3A_319 : i32 to index
        %get3A_321 = arith.index_cast %mul3A_107 : i32 to index
        %get3A_322 = tpu.vector_load %arg8[%get3A_320, %get3A_321] {strides = array<i32>} : memref<64x512xf32, #tpu.memory_space<vmem>>, vector<1x16xf32>,
        %get3A_323 = vector.shape_cast %get3A_322 : vector<1x16xf32> to vector<16xf32>
        %get3A_324 = arith.constant 42 : i32
        %get3A_325 = arith.index_cast %get3A_324 : i32 to index
        %get3A_326 = arith.index_cast %mul3A_107 : i32 to index
        %get3A_327 = tpu.vector_load %arg8[%get3A_325, %get3A_326] {strides = array<i32>} : memref<64x512xf32, #tpu.memory_space<vmem>>, vector<1x16xf32>,
        %get3A_328 = vector.shape_cast %get3A_327 : vector<1x16xf32> to vector<16xf32>
        %get3A_329 = arith.constant 43 : i32
        %get3A_330 = arith.index_cast %get3A_329 : i32 to index
        %get3A_331 = arith.index_cast %mul3A_107 : i32 to index
        %get3A_332 = tpu.vector_load %arg8[%get3A_330, %get3A_331] {strides = array<i32>} : memref<64x512xf32, #tpu.memory_space<vmem>>, vector<1x16xf32>,
        %get3A_333 = vector.shape_cast %get3A_332 : vector<1x16xf32> to vector<16xf32>
        %get3A_334 = arith.constant 44 : i32
        %get3A_335 = arith.index_cast %get3A_334 : i32 to index
        %get3A_336 = arith.index_cast %mul3A_107 : i32 to index
        %get3A_337 = tpu.vector_load %arg8[%get3A_335, %get3A_336] {strides = array<i32>} : memref<64x512xf32, #tpu.memory_space<vmem>>, vector<1x16xf32>,
        %get3A_338 = vector.shape_cast %get3A_337 : vector<1x16xf32> to vector<16xf32>
        %get3A_339 = arith.constant 45 : i32
        %get3A_340 = arith.index_cast %get3A_339 : i32 to index
        %get3A_341 = arith.index_cast %mul3A_107 : i32 to index
        %get3A_342 = tpu.vector_load %arg8[%get3A_340, %get3A_341] {strides = array<i32>} : memref<64x512xf32, #tpu.memory_space<vmem>>, vector<1x16xf32>,
        %get3A_343 = vector.shape_cast %get3A_342 : vector<1x16xf32> to vector<16xf32>
        %get3A_344 = arith.constant 46 : i32
        %get3A_345 = arith.index_cast %get3A_344 : i32 to index
        %get3A_346 = arith.index_cast %mul3A_107 : i32 to index
        %get3A_347 = tpu.vector_load %arg8[%get3A_345, %get3A_346] {strides = array<i32>} : memref<64x512xf32, #tpu.memory_space<vmem>>, vector<1x16xf32>,
        %get3A_348 = vector.shape_cast %get3A_347 : vector<1x16xf32> to vector<16xf32>
        %get3A_349 = arith.constant 47 : i32
        %get3A_350 = arith.index_cast %get3A_349 : i32 to index
        %get3A_351 = arith.index_cast %mul3A_107 : i32 to index
        %get3A_352 = tpu.vector_load %arg8[%get3A_350, %get3A_351] {strides = array<i32>} : memref<64x512xf32, #tpu.memory_space<vmem>>, vector<1x16xf32>,
        %get3A_353 = vector.shape_cast %get3A_352 : vector<1x16xf32> to vector<16xf32>
        %get3A_354 = arith.constant 48 : i32
        %get3A_355 = arith.index_cast %get3A_354 : i32 to index
        %get3A_356 = arith.index_cast %mul3A_107 : i32 to index
        %get3A_357 = tpu.vector_load %arg8[%get3A_355, %get3A_356] {strides = array<i32>} : memref<64x512xf32, #tpu.memory_space<vmem>>, vector<1x16xf32>,
        %get3A_358 = vector.shape_cast %get3A_357 : vector<1x16xf32> to vector<16xf32>
        %get3A_359 = arith.constant 49 : i32
        %get3A_360 = arith.index_cast %get3A_359 : i32 to index
        %get3A_361 = arith.index_cast %mul3A_107 : i32 to index
        %get3A_362 = tpu.vector_load %arg8[%get3A_360, %get3A_361] {strides = array<i32>} : memref<64x512xf32, #tpu.memory_space<vmem>>, vector<1x16xf32>,
        %get3A_363 = vector.shape_cast %get3A_362 : vector<1x16xf32> to vector<16xf32>
        %get3A_364 = arith.constant 50 : i32
        %get3A_365 = arith.index_cast %get3A_364 : i32 to index
        %get3A_366 = arith.index_cast %mul3A_107 : i32 to index
        %get3A_367 = tpu.vector_load %arg8[%get3A_365, %get3A_366] {strides = array<i32>} : memref<64x512xf32, #tpu.memory_space<vmem>>, vector<1x16xf32>,
        %get3A_368 = vector.shape_cast %get3A_367 : vector<1x16xf32> to vector<16xf32>
        %get3A_369 = arith.constant 51 : i32
        %get3A_370 = arith.index_cast %get3A_369 : i32 to index
        %get3A_371 = arith.index_cast %mul3A_107 : i32 to index
        %get3A_372 = tpu.vector_load %arg8[%get3A_370, %get3A_371] {strides = array<i32>} : memref<64x512xf32, #tpu.memory_space<vmem>>, vector<1x16xf32>,
        %get3A_373 = vector.shape_cast %get3A_372 : vector<1x16xf32> to vector<16xf32>
        %get3A_374 = arith.constant 52 : i32
        %get3A_375 = arith.index_cast %get3A_374 : i32 to index
        %get3A_376 = arith.index_cast %mul3A_107 : i32 to index
        %get3A_377 = tpu.vector_load %arg8[%get3A_375, %get3A_376] {strides = array<i32>} : memref<64x512xf32, #tpu.memory_space<vmem>>, vector<1x16xf32>,
        %get3A_378 = vector.shape_cast %get3A_377 : vector<1x16xf32> to vector<16xf32>
        %get3A_379 = arith.constant 53 : i32
        %get3A_380 = arith.index_cast %get3A_379 : i32 to index
        %get3A_381 = arith.index_cast %mul3A_107 : i32 to index
        %get3A_382 = tpu.vector_load %arg8[%get3A_380, %get3A_381] {strides = array<i32>} : memref<64x512xf32, #tpu.memory_space<vmem>>, vector<1x16xf32>,
        %get3A_383 = vector.shape_cast %get3A_382 : vector<1x16xf32> to vector<16xf32>
        %get3A_384 = arith.constant 54 : i32
        %get3A_385 = arith.index_cast %get3A_384 : i32 to index
        %get3A_386 = arith.index_cast %mul3A_107 : i32 to index
        %get3A_387 = tpu.vector_load %arg8[%get3A_385, %get3A_386] {strides = array<i32>} : memref<64x512xf32, #tpu.memory_space<vmem>>, vector<1x16xf32>,
        %get3A_388 = vector.shape_cast %get3A_387 : vector<1x16xf32> to vector<16xf32>
        %get3A_389 = arith.constant 55 : i32
        %get3A_390 = arith.index_cast %get3A_389 : i32 to index
        %get3A_391 = arith.index_cast %mul3A_107 : i32 to index
        %get3A_392 = tpu.vector_load %arg8[%get3A_390, %get3A_391] {strides = array<i32>} : memref<64x512xf32, #tpu.memory_space<vmem>>, vector<1x16xf32>,
        %get3A_393 = vector.shape_cast %get3A_392 : vector<1x16xf32> to vector<16xf32>
        %get3A_394 = arith.constant 56 : i32
        %get3A_395 = arith.index_cast %get3A_394 : i32 to index
        %get3A_396 = arith.index_cast %mul3A_107 : i32 to index
        %get3A_397 = tpu.vector_load %arg8[%get3A_395, %get3A_396] {strides = array<i32>} : memref<64x512xf32, #tpu.memory_space<vmem>>, vector<1x16xf32>,
        %get3A_398 = vector.shape_cast %get3A_397 : vector<1x16xf32> to vector<16xf32>
        %get3A_399 = arith.constant 57 : i32
        %get3A_400 = arith.index_cast %get3A_399 : i32 to index
        %get3A_401 = arith.index_cast %mul3A_107 : i32 to index
        %get3A_402 = tpu.vector_load %arg8[%get3A_400, %get3A_401] {strides = array<i32>} : memref<64x512xf32, #tpu.memory_space<vmem>>, vector<1x16xf32>,
        %get3A_403 = vector.shape_cast %get3A_402 : vector<1x16xf32> to vector<16xf32>
        %get3A_404 = arith.constant 58 : i32
        %get3A_405 = arith.index_cast %get3A_404 : i32 to index
        %get3A_406 = arith.index_cast %mul3A_107 : i32 to index
        %get3A_407 = tpu.vector_load %arg8[%get3A_405, %get3A_406] {strides = array<i32>} : memref<64x512xf32, #tpu.memory_space<vmem>>, vector<1x16xf32>,
        %get3A_408 = vector.shape_cast %get3A_407 : vector<1x16xf32> to vector<16xf32>
        %get3A_409 = arith.constant 59 : i32
        %get3A_410 = arith.index_cast %get3A_409 : i32 to index
        %get3A_411 = arith.index_cast %mul3A_107 : i32 to index
        %get3A_412 = tpu.vector_load %arg8[%get3A_410, %get3A_411] {strides = array<i32>} : memref<64x512xf32, #tpu.memory_space<vmem>>, vector<1x16xf32>,
        %get3A_413 = vector.shape_cast %get3A_412 : vector<1x16xf32> to vector<16xf32>
        %get3A_414 = arith.constant 60 : i32
        %get3A_415 = arith.index_cast %get3A_414 : i32 to index
        %get3A_416 = arith.index_cast %mul3A_107 : i32 to index
        %get3A_417 = tpu.vector_load %arg8[%get3A_415, %get3A_416] {strides = array<i32>} : memref<64x512xf32, #tpu.memory_space<vmem>>, vector<1x16xf32>,
        %get3A_418 = vector.shape_cast %get3A_417 : vector<1x16xf32> to vector<16xf32>
        %get3A_419 = arith.constant 61 : i32
        %get3A_420 = arith.index_cast %get3A_419 : i32 to index
        %get3A_421 = arith.index_cast %mul3A_107 : i32 to index
        %get3A_422 = tpu.vector_load %arg8[%get3A_420, %get3A_421] {strides = array<i32>} : memref<64x512xf32, #tpu.memory_space<vmem>>, vector<1x16xf32>,
        %get3A_423 = vector.shape_cast %get3A_422 : vector<1x16xf32> to vector<16xf32>
        %get3A_424 = arith.constant 62 : i32
        %get3A_425 = arith.index_cast %get3A_424 : i32 to index
        %get3A_426 = arith.index_cast %mul3A_107 : i32 to index
        %get3A_427 = tpu.vector_load %arg8[%get3A_425, %get3A_426] {strides = array<i32>} : memref<64x512xf32, #tpu.memory_space<vmem>>, vector<1x16xf32>,
        %get3A_428 = vector.shape_cast %get3A_427 : vector<1x16xf32> to vector<16xf32>
        %get3A_429 = arith.constant 63 : i32
        %get3A_430 = arith.index_cast %get3A_429 : i32 to index
        %get3A_431 = arith.index_cast %mul3A_107 : i32 to index
        %get3A_432 = tpu.vector_load %arg8[%get3A_430, %get3A_431] {strides = array<i32>} : memref<64x512xf32, #tpu.memory_space<vmem>>, vector<1x16xf32>,
        %get3A_433 = vector.shape_cast %get3A_432 : vector<1x16xf32> to vector<16xf32>
        %shift_right_arithmetic3A = arith.constant 0 : i32
        %shift_right_arithmetic3A_434 = vector.broadcast %shift_right_arithmetic3A : i32 to vector<16xi32>
        %shift_right_arithmetic3A_435 = arith.shrsi %and3A_113, %shift_right_arithmetic3A_434 : vector<16xi32>
        %and3A_436 = arith.constant 1 : i32
        %and3A_437 = vector.broadcast %and3A_436 : i32 to vector<16xi32>
        %and3A_438 = arith.andi %shift_right_arithmetic3A_435, %and3A_437 : vector<16xi32>
        %eq3A = arith.constant 1 : i32
        %eq3A_439 = vector.broadcast %eq3A : i32 to vector<16xi32>
        %eq3A_440 = arith.cmpi eq, %and3A_438, %eq3A_439 : vector<16xi32>
        %select_n3A = arith.select %eq3A_440, %get3A_123, %get3A_118 : vector<16xi1>, vector<16xf32>
        %select_n3A_441 = arith.select %eq3A_440, %get3A_133, %get3A_128 : vector<16xi1>, vector<16xf32>
        %select_n3A_442 = arith.select %eq3A_440, %get3A_143, %get3A_138 : vector<16xi1>, vector<16xf32>
        %select_n3A_443 = arith.select %eq3A_440, %get3A_153, %get3A_148 : vector<16xi1>, vector<16xf32>
        %select_n3A_444 = arith.select %eq3A_440, %get3A_163, %get3A_158 : vector<16xi1>, vector<16xf32>
        %select_n3A_445 = arith.select %eq3A_440, %get3A_173, %get3A_168 : vector<16xi1>, vector<16xf32>
        %select_n3A_446 = arith.select %eq3A_440, %get3A_183, %get3A_178 : vector<16xi1>, vector<16xf32>
        %select_n3A_447 = arith.select %eq3A_440, %get3A_193, %get3A_188 : vector<16xi1>, vector<16xf32>
        %select_n3A_448 = arith.select %eq3A_440, %get3A_203, %get3A_198 : vector<16xi1>, vector<16xf32>
        %select_n3A_449 = arith.select %eq3A_440, %get3A_213, %get3A_208 : vector<16xi1>, vector<16xf32>
        %select_n3A_450 = arith.select %eq3A_440, %get3A_223, %get3A_218 : vector<16xi1>, vector<16xf32>
        %select_n3A_451 = arith.select %eq3A_440, %get3A_233, %get3A_228 : vector<16xi1>, vector<16xf32>
        %select_n3A_452 = arith.select %eq3A_440, %get3A_243, %get3A_238 : vector<16xi1>, vector<16xf32>
        %select_n3A_453 = arith.select %eq3A_440, %get3A_253, %get3A_248 : vector<16xi1>, vector<16xf32>
        %select_n3A_454 = arith.select %eq3A_440, %get3A_263, %get3A_258 : vector<16xi1>, vector<16xf32>
        %select_n3A_455 = arith.select %eq3A_440, %get3A_273, %get3A_268 : vector<16xi1>, vector<16xf32>
        %select_n3A_456 = arith.select %eq3A_440, %get3A_283, %get3A_278 : vector<16xi1>, vector<16xf32>
        %select_n3A_457 = arith.select %eq3A_440, %get3A_293, %get3A_288 : vector<16xi1>, vector<16xf32>
        %select_n3A_458 = arith.select %eq3A_440, %get3A_303, %get3A_298 : vector<16xi1>, vector<16xf32>
        %select_n3A_459 = arith.select %eq3A_440, %get3A_313, %get3A_308 : vector<16xi1>, vector<16xf32>
        %select_n3A_460 = arith.select %eq3A_440, %get3A_323, %get3A_318 : vector<16xi1>, vector<16xf32>
        %select_n3A_461 = arith.select %eq3A_440, %get3A_333, %get3A_328 : vector<16xi1>, vector<16xf32>
        %select_n3A_462 = arith.select %eq3A_440, %get3A_343, %get3A_338 : vector<16xi1>, vector<16xf32>
        %select_n3A_463 = arith.select %eq3A_440, %get3A_353, %get3A_348 : vector<16xi1>, vector<16xf32>
        %select_n3A_464 = arith.select %eq3A_440, %get3A_363, %get3A_358 : vector<16xi1>, vector<16xf32>
        %select_n3A_465 = arith.select %eq3A_440, %get3A_373, %get3A_368 : vector<16xi1>, vector<16xf32>
        %select_n3A_466 = arith.select %eq3A_440, %get3A_383, %get3A_378 : vector<16xi1>, vector<16xf32>
        %select_n3A_467 = arith.select %eq3A_440, %get3A_393, %get3A_388 : vector<16xi1>, vector<16xf32>
        %select_n3A_468 = arith.select %eq3A_440, %get3A_403, %get3A_398 : vector<16xi1>, vector<16xf32>
        %select_n3A_469 = arith.select %eq3A_440, %get3A_413, %get3A_408 : vector<16xi1>, vector<16xf32>
        %select_n3A_470 = arith.select %eq3A_440, %get3A_423, %get3A_418 : vector<16xi1>, vector<16xf32>
        %select_n3A_471 = arith.select %eq3A_440, %get3A_433, %get3A_428 : vector<16xi1>, vector<16xf32>
        %shift_right_arithmetic3A_472 = arith.constant 1 : i32
        %shift_right_arithmetic3A_473 = vector.broadcast %shift_right_arithmetic3A_472 : i32 to vector<16xi32>
        %shift_right_arithmetic3A_474 = arith.shrsi %and3A_113, %shift_right_arithmetic3A_473 : vector<16xi32>
        %and3A_475 = arith.constant 1 : i32
        %and3A_476 = vector.broadcast %and3A_475 : i32 to vector<16xi32>
        %and3A_477 = arith.andi %shift_right_arithmetic3A_474, %and3A_476 : vector<16xi32>
        %eq3A_478 = arith.constant 1 : i32
        %eq3A_479 = vector.broadcast %eq3A_478 : i32 to vector<16xi32>
        %eq3A_480 = arith.cmpi eq, %and3A_477, %eq3A_479 : vector<16xi32>
        %select_n3A_481 = arith.select %eq3A_480, %select_n3A_441, %select_n3A : vector<16xi1>, vector<16xf32>
        %select_n3A_482 = arith.select %eq3A_480, %select_n3A_443, %select_n3A_442 : vector<16xi1>, vector<16xf32>
        %select_n3A_483 = arith.select %eq3A_480, %select_n3A_445, %select_n3A_444 : vector<16xi1>, vector<16xf32>
        %select_n3A_484 = arith.select %eq3A_480, %select_n3A_447, %select_n3A_446 : vector<16xi1>, vector<16xf32>
        %select_n3A_485 = arith.select %eq3A_480, %select_n3A_449, %select_n3A_448 : vector<16xi1>, vector<16xf32>
        %select_n3A_486 = arith.select %eq3A_480, %select_n3A_451, %select_n3A_450 : vector<16xi1>, vector<16xf32>
        %select_n3A_487 = arith.select %eq3A_480, %select_n3A_453, %select_n3A_452 : vector<16xi1>, vector<16xf32>
        %select_n3A_488 = arith.select %eq3A_480, %select_n3A_455, %select_n3A_454 : vector<16xi1>, vector<16xf32>
        %select_n3A_489 = arith.select %eq3A_480, %select_n3A_457, %select_n3A_456 : vector<16xi1>, vector<16xf32>
        %select_n3A_490 = arith.select %eq3A_480, %select_n3A_459, %select_n3A_458 : vector<16xi1>, vector<16xf32>
        %select_n3A_491 = arith.select %eq3A_480, %select_n3A_461, %select_n3A_460 : vector<16xi1>, vector<16xf32>
        %select_n3A_492 = arith.select %eq3A_480, %select_n3A_463, %select_n3A_462 : vector<16xi1>, vector<16xf32>
        %select_n3A_493 = arith.select %eq3A_480, %select_n3A_465, %select_n3A_464 : vector<16xi1>, vector<16xf32>
        %select_n3A_494 = arith.select %eq3A_480, %select_n3A_467, %select_n3A_466 : vector<16xi1>, vector<16xf32>
        %select_n3A_495 = arith.select %eq3A_480, %select_n3A_469, %select_n3A_468 : vector<16xi1>, vector<16xf32>
        %select_n3A_496 = arith.select %eq3A_480, %select_n3A_471, %select_n3A_470 : vector<16xi1>, vector<16xf32>
        %shift_right_arithmetic3A_497 = arith.constant 2 : i32
        %shift_right_arithmetic3A_498 = vector.broadcast %shift_right_arithmetic3A_497 : i32 to vector<16xi32>
        %shift_right_arithmetic3A_499 = arith.shrsi %and3A_113, %shift_right_arithmetic3A_498 : vector<16xi32>
        %and3A_500 = arith.constant 1 : i32
        %and3A_501 = vector.broadcast %and3A_500 : i32 to vector<16xi32>
        %and3A_502 = arith.andi %shift_right_arithmetic3A_499, %and3A_501 : vector<16xi32>
        %eq3A_503 = arith.constant 1 : i32
        %eq3A_504 = vector.broadcast %eq3A_503 : i32 to vector<16xi32>
        %eq3A_505 = arith.cmpi eq, %and3A_502, %eq3A_504 : vector<16xi32>
        %select_n3A_506 = arith.select %eq3A_505, %select_n3A_482, %select_n3A_481 : vector<16xi1>, vector<16xf32>
        %select_n3A_507 = arith.select %eq3A_505, %select_n3A_484, %select_n3A_483 : vector<16xi1>, vector<16xf32>
        %select_n3A_508 = arith.select %eq3A_505, %select_n3A_486, %select_n3A_485 : vector<16xi1>, vector<16xf32>
        %select_n3A_509 = arith.select %eq3A_505, %select_n3A_488, %select_n3A_487 : vector<16xi1>, vector<16xf32>
        %select_n3A_510 = arith.select %eq3A_505, %select_n3A_490, %select_n3A_489 : vector<16xi1>, vector<16xf32>
        %select_n3A_511 = arith.select %eq3A_505, %select_n3A_492, %select_n3A_491 : vector<16xi1>, vector<16xf32>
        %select_n3A_512 = arith.select %eq3A_505, %select_n3A_494, %select_n3A_493 : vector<16xi1>, vector<16xf32>
        %select_n3A_513 = arith.select %eq3A_505, %select_n3A_496, %select_n3A_495 : vector<16xi1>, vector<16xf32>
        %shift_right_arithmetic3A_514 = arith.constant 3 : i32
        %shift_right_arithmetic3A_515 = vector.broadcast %shift_right_arithmetic3A_514 : i32 to vector<16xi32>
        %shift_right_arithmetic3A_516 = arith.shrsi %and3A_113, %shift_right_arithmetic3A_515 : vector<16xi32>
        %and3A_517 = arith.constant 1 : i32
        %and3A_518 = vector.broadcast %and3A_517 : i32 to vector<16xi32>
        %and3A_519 = arith.andi %shift_right_arithmetic3A_516, %and3A_518 : vector<16xi32>
        %eq3A_520 = arith.constant 1 : i32
        %eq3A_521 = vector.broadcast %eq3A_520 : i32 to vector<16xi32>
        %eq3A_522 = arith.cmpi eq, %and3A_519, %eq3A_521 : vector<16xi32>
        %select_n3A_523 = arith.select %eq3A_522, %select_n3A_507, %select_n3A_506 : vector<16xi1>, vector<16xf32>
        %select_n3A_524 = arith.select %eq3A_522, %select_n3A_509, %select_n3A_508 : vector<16xi1>, vector<16xf32>
        %select_n3A_525 = arith.select %eq3A_522, %select_n3A_511, %select_n3A_510 : vector<16xi1>, vector<16xf32>
        %select_n3A_526 = arith.select %eq3A_522, %select_n3A_513, %select_n3A_512 : vector<16xi1>, vector<16xf32>
        %shift_right_arithmetic3A_527 = arith.constant 4 : i32
        %shift_right_arithmetic3A_528 = vector.broadcast %shift_right_arithmetic3A_527 : i32 to vector<16xi32>
        %shift_right_arithmetic3A_529 = arith.shrsi %and3A_113, %shift_right_arithmetic3A_528 : vector<16xi32>
        %and3A_530 = arith.constant 1 : i32
        %and3A_531 = vector.broadcast %and3A_530 : i32 to vector<16xi32>
        %and3A_532 = arith.andi %shift_right_arithmetic3A_529, %and3A_531 : vector<16xi32>
        %eq3A_533 = arith.constant 1 : i32
        %eq3A_534 = vector.broadcast %eq3A_533 : i32 to vector<16xi32>
        %eq3A_535 = arith.cmpi eq, %and3A_532, %eq3A_534 : vector<16xi32>
        %select_n3A_536 = arith.select %eq3A_535, %select_n3A_524, %select_n3A_523 : vector<16xi1>, vector<16xf32>
        %select_n3A_537 = arith.select %eq3A_535, %select_n3A_526, %select_n3A_525 : vector<16xi1>, vector<16xf32>
        %shift_right_arithmetic3A_538 = arith.constant 5 : i32
        %shift_right_arithmetic3A_539 = vector.broadcast %shift_right_arithmetic3A_538 : i32 to vector<16xi32>
        %shift_right_arithmetic3A_540 = arith.shrsi %and3A_113, %shift_right_arithmetic3A_539 : vector<16xi32>
        %and3A_541 = arith.constant 1 : i32
        %and3A_542 = vector.broadcast %and3A_541 : i32 to vector<16xi32>
        %and3A_543 = arith.andi %shift_right_arithmetic3A_540, %and3A_542 : vector<16xi32>
        %eq3A_544 = arith.constant 1 : i32
        %eq3A_545 = vector.broadcast %eq3A_544 : i32 to vector<16xi32>
        %eq3A_546 = arith.cmpi eq, %and3A_543, %eq3A_545 : vector<16xi32>
        %select_n3A_547 = arith.select %eq3A_546, %select_n3A_537, %select_n3A_536 : vector<16xi1>, vector<16xf32>
        %eq3A_548 = arith.cmpi eq, %and3A_113, %and3A_9 : vector<16xi32>
        %get3A_549 = arith.index_cast %mul3A_107 : i32 to index
        %get3A_550 = tpu.vector_load %arg12[%get3A_549] {strides = array<i32>} : memref<512xf32, #tpu.memory_space<vmem>>, vector<16xf32>,
        %get3A_551 = vector.shape_cast %get3A_550 : vector<16xf32> to vector<16xf32>
        %select_n3A_552 = arith.select %eq3A_548, %get3A_551, %select_n3A_547 : vector<16xi1>, vector<16xf32>
        %swap3A = arith.index_cast %mul3A_107 : i32 to index
        %swap3A_553 = tpu.vector_load %arg14[%swap3A] {strides = array<i32>} : memref<512xf32, #tpu.memory_space<vmem>>, vector<16xf32>,
        %swap3A_554 = vector.shape_cast %swap3A_553 : vector<16xf32> to vector<16xf32>
        %swap3A_555 = vector.shape_cast %select_n3A_552 : vector<16xf32> to vector<16xf32>
        tpu.vector_store %arg14[%swap3A], %swap3A_555 {strides = array<i32>} : memref<512xf32, #tpu.memory_space<vmem>>, vector<16xf32>,
      }
      %scan3A_98 = arith.constant 32 : i32
      %mul3A_99 = arith.constant 512 : i32
      %mul3A_100 = arith.muli %add3A_31, %mul3A_99 : i32
      %add3A_101 = arith.addi %mul3A_2, %mul3A_100 : i32
      %multiple_of3A_102 = tpu.assume_multiple %add3A_101, 512 : i32
      %dma_start3A_103 = tpu.memref_slice %arg6[%multiple_of3A_102] : memref<589824xf32, #tpu.memory_space<hbm>> -> memref<512xf32, #tpu.memory_space<hbm>>
      %dma_start3A_104 = tpu.memref_slice %arg6[%multiple_of3A_102] : memref<589824xf32, #tpu.memory_space<hbm>> -> memref<512xf32, #tpu.memory_space<hbm>>
      tpu.enqueue_dma source(%arg14 : memref<512xf32, #tpu.memory_space<vmem>>) target(%dma_start3A_104 : memref<512xf32, #tpu.memory_space<hbm>>) target_semaphore(%arg17 : memref<!tpu.dma_semaphore, #tpu.memory_space<semaphore_mem>>)
    }
    %scan3A_23 = arith.constant 18 : i32
    %dma_wait3A = tpu.memref_slice %arg6[%mul3A_2] : memref<589824xf32, #tpu.memory_space<hbm>> -> memref<512xf32, #tpu.memory_space<hbm>>
    %dma_wait3A_24 = tpu.memref_slice %arg6[%mul3A_2] : memref<589824xf32, #tpu.memory_space<hbm>> -> memref<512xf32, #tpu.memory_space<hbm>>
    tpu.wait_dma2 semaphore(%arg17 : memref<!tpu.dma_semaphore, #tpu.memory_space<semaphore_mem>>) src(%arg13 : memref<512xf32, #tpu.memory_space<vmem>>) dst(%dma_wait3A_24 : memref<512xf32, #tpu.memory_space<hbm>>)
    %dma_wait3A_25 = tpu.memref_slice %arg6[%mul3A_2] : memref<589824xf32, #tpu.memory_space<hbm>> -> memref<512xf32, #tpu.memory_space<hbm>>
    %dma_wait3A_26 = tpu.memref_slice %arg6[%mul3A_2] : memref<589824xf32, #tpu.memory_space<hbm>> -> memref<512xf32, #tpu.memory_space<hbm>>
    tpu.wait_dma2 semaphore(%arg17 : memref<!tpu.dma_semaphore, #tpu.memory_space<semaphore_mem>>) src(%arg13 : memref<512xf32, #tpu.memory_space<vmem>>) dst(%dma_wait3A_26 : memref<512xf32, #tpu.memory_space<hbm>>)
    return
  }
}

module attributes {stable_mosaic.version = 14 : i64} {
  func.func @_tc_body(%arg0: i32, %arg1: memref<1xi32, #tpu.memory_space<smem>>, %arg2: memref<8192xi32, #tpu.memory_space<vmem>>, %arg3: memref<8192xf32, #tpu.memory_space<vmem>>, %arg4: memref<64x8192xf32, #tpu.memory_space<vmem>>, %arg5: memref<8192xf32, #tpu.memory_space<vmem>>) attributes {dimension_semantics = [#tpu.dimension_semantics<arbitrary>], iteration_bounds = array<i64: 51>, scalar_prefetch = 0 : i64, scratch_operands = 0 : i64, tpu.core_type = #tpu.core_type<tc>, window_params = [{transform_indices = @transform_0, window_bounds = array<i64: 1>}, {transform_indices = @transform_1, window_bounds = array<i64: 8192>}, {transform_indices = @transform_2, window_bounds = array<i64: 8192>}, {transform_indices = @transform_3, window_bounds = array<i64: 64, 8192>}, {transform_indices = @transform_4, window_bounds = array<i64: 8192>}]} {
    %get3A = arith.constant 0 : index
    %get3A_0 = memref.load %arg1[%get3A] : memref<1xi32, #tpu.memory_space<smem>>
    %get3A_1 = arith.constant 0 : index
    %get3A_2 = vector.load %arg2[%get3A_1] : memref<8192xi32, #tpu.memory_space<vmem>>, vector<8192xi32>
    %add3A = arith.constant 1 : i32
    %add3A_3 = arith.addi %get3A_0, %add3A : i32
    %sub3A = vector.broadcast %add3A_3 : i32 to vector<8192xi32>
    %sub3A_4 = arith.subi %sub3A, %get3A_2 : vector<8192xi32>
    %and3A = arith.constant 63 : i32
    %and3A_5 = vector.broadcast %and3A : i32 to vector<8192xi32>
    %and3A_6 = arith.andi %sub3A_4, %and3A_5 : vector<8192xi32>
    %iota3A = tpu.iota {dimensions = array<i32: 0>} : vector<64x8192xi32>
    %broadcast_in_dim3A = vector.shape_cast %and3A_6 : vector<8192xi32> to vector<1x8192xi32>
    %eq3A = vector.broadcast %broadcast_in_dim3A : vector<1x8192xi32> to vector<64x8192xi32>
    %eq3A_7 = arith.cmpi eq, %iota3A, %eq3A : vector<64x8192xi32>
    %get3A_8 = arith.constant 0 : index
    %get3A_9 = arith.constant 0 : index
    %get3A_10 = vector.load %arg4[%get3A_8, %get3A_9] : memref<64x8192xf32, #tpu.memory_space<vmem>>, vector<64x8192xf32>
    %jit3A = arith.constant 0.000000e+00 : f32
    %broadcast_in_dim3A_11 = vector.broadcast %jit3A : f32 to vector<64x8192xf32>
    %select_n3A = arith.select %eq3A_7, %get3A_10, %broadcast_in_dim3A_11 : vector<64x8192xi1>, vector<64x8192xf32>
    %reduce_sum3A = arith.constant dense<0.000000e+00> : vector<8192xf32>
    %reduce_sum3A_12 = vector.multi_reduction <add>, %select_n3A, %reduce_sum3A [0] : vector<64x8192xf32> to vector<8192xf32>
    %and3A_13 = arith.constant 63 : i32
    %and3A_14 = arith.andi %get3A_0, %and3A_13 : i32
    %eq3A_15 = vector.broadcast %and3A_14 : i32 to vector<8192xi32>
    %eq3A_16 = arith.cmpi eq, %and3A_6, %eq3A_15 : vector<8192xi32>
    %get3A_17 = arith.constant 0 : index
    %get3A_18 = vector.load %arg3[%get3A_17] : memref<8192xf32, #tpu.memory_space<vmem>>, vector<8192xf32>
    %select_n3A_19 = arith.select %eq3A_16, %get3A_18, %reduce_sum3A_12 : vector<8192xi1>, vector<8192xf32>
    %swap3A = arith.constant 0 : index
    %swap3A_20 = vector.load %arg5[%swap3A] : memref<8192xf32, #tpu.memory_space<vmem>>, vector<8192xf32>
    tpu.vector_store %arg5[%swap3A], %select_n3A_19 {strides = array<i32>} : memref<8192xf32, #tpu.memory_space<vmem>>, vector<8192xf32>,
    return
  }
  func.func @transform_0(%arg0: i32) -> i32 {
    %c0_i32 = arith.constant 0 : i32
    %c0_i32_0 = arith.constant 0 : i32
    return %c0_i32 : i32
  }
  func.func @transform_1(%arg0: i32) -> i32 {
    %add3A = arith.constant 72 : i32
    %add3A_0 = arith.addi %arg0, %add3A : i32
    %c0_i32 = arith.constant 0 : i32
    return %add3A_0 : i32
  }
  func.func @transform_2(%arg0: i32) -> i32 {
    %add3A = arith.constant 72 : i32
    %add3A_0 = arith.addi %arg0, %add3A : i32
    %c0_i32 = arith.constant 0 : i32
    return %add3A_0 : i32
  }
  func.func @transform_3(%arg0: i32) -> (i32, i32) {
    %add3A = arith.constant 72 : i32
    %add3A_0 = arith.addi %arg0, %add3A : i32
    %c0_i32 = arith.constant 0 : i32
    %c0_i32_1 = arith.constant 0 : i32
    return %c0_i32, %add3A_0 : i32, i32
  }
  func.func @transform_4(%arg0: i32) -> i32 {
    %c0_i32 = arith.constant 0 : i32
    return %arg0 : i32
  }
}

</mosaic_0001>

<sc_bundles>
// kernel: kernel.4.cloned.1.call-start
scs
__scs_entry_jumppad:
0x0: {  	(pc) =	sbr.rel $0x88, $3  }
0x1: {  	(tag) =	ssettag $0x0;
	lr =	simm.s32 $0x1  }
0x2: {  	[smem:$0x3F9D] =	sst lr;
	_ =	strace $0xD0000000  }
0x3: {  	_ = 	snop  }
0x4: {  	_ = 	snop  }
0x5: {  	_ = 	snop  }
0x6: {  	_ = 	snop  }
0x7: {  	_ = 	snop  }
__scs_overlays_trampoline_lowered:
0x8: {  	[smem:$0x3FAC] =	sst s0  }
0x9: {  	[smem:$0x3FAD] =	sst s1  }
0xa: {  	[smem:$0x3FAE] =	sst s2  }
0xb: {  	[smem:$0x3FAF] =	sst s3  }
0xc: {  	[smem:$0x3FB0] =	sst s4  }
0xd: {  	[smem:$0x3FB1] =	sst s5  }
0xe: {  	[smem:$0x3FB2] =	sst s6  }
0xf: {  	[smem:$0x3FB3] =	sst s7  }
0x10: {  	[smem:$0x3FB4] =	sst s8  }
0x11: {  	[smem:$0x3FB5] =	sst s9;
	s0 =	simm.s32 @!p0 $0x0  }
0x12: {  	s1 =	sld [smem:$0x3F9B];
	s0 =	simm.s32 @p0 $0x1  }
0x13: {  	[smem:$0x3FB6] =	sst s0;
	s0 =	simm.s32 @!p1 $0x0  }
0x14: {  	s2 =	sld [smem:$0x3F9A];
	s0 =	simm.s32 @p1 $0x1  }
0x15: {  	[smem:$0x3FB7] =	sst s0;
	s0 =	simm.s32 @!p2 $0x0  }
0x16: {  	s3 =	sld [smem:$0x3FDB];
	s0 =	simm.s32 @p2 $0x1  }
0x17: {  	s4 =	simm.s32 $0x1BF5;
	[smem:$0x3FB9] =	sst s0  }
0x18: {  	s0 =	sld [smem:$0x3F9C];
	_ =	swait.ge [sflag:s4], $0x0  }
0x19: {  	s7 =	sld [smem:$0x3F9D]  }
0x1a: {  	s8 =	sadd.s32 $0xFFFFE003, lr  }
0x1b: {  	s9 =	sadd.s32 $0xFFFFFEF7, lr;
	s5 =	simm.s32 $0xFFFFFFFF;
	p2 =	slt.u32 s8, $0xFFFFF086  }
0x1c: {  	p1 =	slt.u32 s9, $0xF7A;
	s5 =	simm.s32 @!p2 $0x0  }
0x1d: {  	s5 =	simm.s32 @p1 $0x1;
	p0 =	seq.s32 s7, s2  }
0x1e: {  	s7 =	smul.u32 @!p0 $0xF7A, s2;
	p2 =	seq.s32 @!p0 s5, $0x0  }
0x1f: {  	s9 =	smul.u32 $0xF7A, s1;
	s8 =	simm.s32 @!p0 $0x1BF5;
	p2 =	por !p2, p0  }
0x20: {  	[sflag:s8] =	ssyncset.s32 @!p0 $0xFFFFF086;
	s6 =	sadd.s32 @!p0 s3, s7;
	s7 =	simm.s32 @!p0 $0x108  }
0x21: {  	s3 =	sadd.s32 s3, s9;
	s6 =	sadd.s32 @!p0 $0x88, s6;
	s7 =	simm.s32 @p2 $0x1082  }
0x22: {  	[simem:s7], [sflag:s8] =	dma.local @!p0 [hbm:s6], $0xF7A  }
0x23: {  	s9 =	sor.u32 $0xD0000000, s2;
	s6 =	simm.s32 $0x108;
	_ =	swait.ge @!p0 [sflag:s8], $0x0  }
0x24: {  	s3 =	sadd.s32 $0x88, s3;
	s6 =	simm.s32 @!p1 $0x1082;
	[sflag:s4] =	ssyncset.s32 $0xFFFFF086  }
0x25: {  	[simem:s6], [sflag:s4] =	dma.local [hbm:s3], $0xF7A  }
0x26: {  	[smem:$0x3F9D] =	sst s1;
	(tag) =	ssettag s2;
	_ =	strace s9  }
0x27: {  	s1 =	sld [smem:$0x3FAD]  }
0x28: {  	s2 =	sld [smem:$0x3FAE]  }
0x29: {  	s4 =	sld [smem:$0x3FB0]  }
0x2a: {  	p0 =	seq.s32 s5, $0x0;
	s5 =	sld [smem:$0x3FB1]  }
0x2b: {  	s6 =	sld [smem:$0x3FB2]  }
0x2c: {  	s7 =	sld [smem:$0x3FB3]  }
0x2d: {  	s3 =	simm.s32 $0x108;
	s8 =	sld [smem:$0x3FB4]  }
0x2e: {  	s3 =	simm.s32 @!p0 $0x1082;
	s9 =	sld [smem:$0x3FB5]  }
0x2f: {  	lr =	sadd.s32 s0, s3;
	s0 =	sld [smem:$0x3FAC]  }
0x30: {  	s3 =	sld [smem:$0x3FAF]  }
0x31: {  	[smem:$0x3FB8] =	sst s10  }
0x32: {  	s10 =	sld [smem:$0x3FB6];
	_ =	sdelay $0x3  }
0x33: {  	p0 =	seq.s32 s10, $0x1;
	s10 =	sld [smem:$0x3FB8];
	_ =	sdelay $0x3  }
0x34: {  	[smem:$0x3FB8] =	sst s10  }
0x35: {  	s10 =	sld [smem:$0x3FB7];
	_ =	sdelay $0x3  }
0x36: {  	p1 =	seq.s32 s10, $0x1;
	s10 =	sld [smem:$0x3FB8];
	_ =	sdelay $0x3  }
0x37: {  	[smem:$0x3FB8] =	sst s10  }
0x38: {  	s10 =	sld [smem:$0x3FB9]  }
0x39: {  	_ = 	snop;
	(pc) =	sbr.ind lr, $3  }
0x3a: {  	_ = 	snop  }
0x3b: {  	_ = 	snop  }
0x3c: {  	p2 =	seq.s32 s10, $0x1;
	s10 =	sld [smem:$0x3FB8]  }
0x3d: {  	_ =	shalt  }
0x3e: {  	_ =	shalt  }
0x3f: {  	_ =	shalt  }
0x40: {  	_ =	shalt  }
0x41: {  	_ =	shalt  }
0x42: {  	_ =	shalt  }
0x43: {  	_ =	shalt  }
0x44: {  	_ =	shalt  }
0x45: {  	_ =	shalt  }
0x46: {  	_ =	shalt  }
0x47: {  	_ =	shalt  }
0x48: {  	_ =	shalt  }
0x49: {  	_ =	shalt  }
0x4a: {  	_ =	shalt  }
0x4b: {  	_ =	shalt  }
0x4c: {  	_ =	shalt  }
0x4d: {  	_ =	shalt  }
0x4e: {  	_ =	shalt  }
0x4f: {  	_ =	shalt  }
0x50: {  	_ =	shalt  }
0x51: {  	_ =	shalt  }
0x52: {  	_ =	shalt  }
0x53: {  	_ =	shalt  }
0x54: {  	_ =	shalt  }
0x55: {  	_ =	shalt  }
0x56: {  	_ =	shalt  }
0x57: {  	_ =	shalt  }
0x58: {  	_ =	shalt  }
0x59: {  	_ =	shalt  }
0x5a: {  	_ =	shalt  }
0x5b: {  	_ =	shalt  }
0x5c: {  	_ =	shalt  }
0x5d: {  	_ =	shalt  }
0x5e: {  	_ =	shalt  }
0x5f: {  	_ =	shalt  }
0x60: {  	_ =	shalt  }
0x61: {  	_ =	shalt  }
0x62: {  	_ =	shalt  }
0x63: {  	_ =	shalt  }
0x64: {  	_ =	shalt  }
0x65: {  	_ =	shalt  }
0x66: {  	_ =	shalt  }
0x67: {  	_ =	shalt  }
0x68: {  	_ =	shalt  }
0x69: {  	_ =	shalt  }
0x6a: {  	_ =	shalt  }
0x6b: {  	_ =	shalt  }
0x6c: {  	_ =	shalt  }
0x6d: {  	_ =	shalt  }
0x6e: {  	_ =	shalt  }
0x6f: {  	_ =	shalt  }
0x70: {  	_ =	shalt  }
0x71: {  	_ =	shalt  }
0x72: {  	_ =	shalt  }
0x73: {  	_ =	shalt  }
0x74: {  	_ =	shalt  }
0x75: {  	_ =	shalt  }
0x76: {  	_ =	shalt  }
0x77: {  	_ =	shalt  }
0x78: {  	_ =	shalt  }
0x79: {  	_ =	shalt  }
0x7a: {  	_ =	shalt  }
0x7b: {  	_ =	shalt  }
0x7c: {  	_ =	shalt  }
0x7d: {  	_ =	shalt  }
0x7e: {  	_ =	shalt  }
0x7f: {  	_ =	shalt  }
0x80: {  	_ =	shalt  }
0x81: {  	_ =	shalt  }
0x82: {  	_ =	shalt  }
0x83: {  	_ =	shalt  }
0x84: {  	_ =	shalt  }
0x85: {  	_ =	shalt  }
0x86: {  	_ =	shalt  }
0x87: {  	_ =	shalt  }
.Lfunc_end0:
.L_simem_size_0:
called_computation_lowered:
.L_overlay_start_0:
0x88: {  	s2 =	sld [smem:$0x3FD9]  }
0x89: {  	s3 =	sld [smem:$0x3FFE];
	_ =	sdelay $0x1  }
0x8a: {  	s1 =	srdreg.scid  }
0x8b: {  	s0 =	sand.u32 $0x1, s1  }
0x8c: {  	s17 =	sshll.u32 s0, $0xA;
	s2 =	sadd.s32 s3, s2  }
0x8d: {  	s2 =	sadd.s32 s2, s17  }
0x8e: {  	[smem:$0x3FC4] =	sst s2  }
0x8f: {  	_ = 	snop  }
0x90: {  	s2 =	sld [smem:$0x3FC9]  }
0x91: {  	s18 =	sld [smem:$0x3FC8]  }
0x92: {  	s4 =	sld [smem:$0x3FC7];
	(tm) =	ssettm $0x1  }
0x93: {  	s5 =	sld [smem:$0x3FFB];
	_ =	sdelay $0x3  }
0x94: {  	_ =	strace s5  }
0x95: {  	s5 =	sld [smem:$0x3FFC];
	_ =	sdelay $0x3  }
0x96: {  	_ =	strace s5  }
0x97: {  	s5 =	sld [smem:$0x3FFD];
	_ =	sdelay $0x3  }
0x98: {  	_ =	strace s5  }
0x99: {  	_ =	strace $0x8FFFFFFF  }
0x9a: {  	s19 =	sld [smem:$0x3FDB];
	_ =	sdelay $0x1  }
0x9b: {  	s6 =	simm.s32 $_scs_section_size  }
0x9c: {  	s7 =	simm.s32 $_size__tile_overlayer_lowered;
	s8 =	simm.s32 $_tile_overlayer_lowered  }
0x9d: {  	s22 =	simm.s32 $0x1BFF;
	s21 =	sshll.u32 s8, $0x1;
	s5 =	sadd.s32 s6, s19  }
0x9e: {  	s9 =	simm.s32 $0x0;
	s20 =	sshll.u32 s7, $0x1;
	s7 =	sadd.s32 s21, s5  }
0x9f: {  	[timem:s9], [sflag:s22] =	dma.local [hbm:s7], s20  }
0xa0: {  	_ =	swait.ge [sflag:s22], s20  }
0xa1: {  	s6 =	ssub.s32 $0x0, s20;
	[sflag:s22] =	ssyncset.done $0x0  }
0xa2: {  	[sflag:s22] =	ssyncadd.s32 s6;
	_ =	sdelay $0x1  }
0xa3: {  	s23 =	simm.s32 $0x1B8B  }
0xa4: {  	_ =	swait.ge [sflag:s23], $0x1  }
0xa5: {  	[sflag:s23] =	ssyncset.done $0x0  }
0xa6: {  	s25 =	simm.s32 $0x1B8E;
	s24 =	sld [smem:$0x3FFE];
	[sflag:s23] =	ssyncadd.s32 $0xFFFFFFFF  }
0xa7: {  	s26 =	simm.s32 $execute0_lowered;
	[smem:$0x3FD2] =	sst s25  }
0xa8: {  	s7 =	sshll.u32 s26, $0x1;
	_ =	strace $0x80000046;
	[dreg:$0x1] =	wrdreg $0xFFFFFFFF  }
0xa9: {  	s28 =	simm.s32 $_size_execute0_lowered;
	s5 =	sadd.s32 s5, s7;
	[dreg:$0x0] =	wrdreg $0x0  }
0xaa: {  	s7 =	sshll.u32 s28, $0x1;
	[dreg:$0x2] =	wrdreg s5  }
0xab: {  	[dreg:$0x3] =	wrdreg s7  }
0xac: {  	[dreg:$0x4] =	wrdreg $0xC0  }
0xad: {  	_ =	task [dreg:s9], $0x5FFFF  }
0xae: {  	[dreg:$0x1] =	wrdreg $0xFFFFFFFF  }
0xaf: {  	[dreg:$0x0] =	wrdreg $0x60  }
0xb0: {  	[dreg:$0x2] =	wrdreg s2  }
0xb1: {  	[dreg:$0x3] =	wrdreg s4  }
0xb2: {  	[dreg:$0x4] =	wrdreg s18  }
0xb3: {  	[dreg:$0x5] =	wrdreg s24  }
0xb4: {  	[dreg:$0x6] =	wrdreg $0x9  }
0xb5: {  	_ =	task.clear_ibuf [dreg:s9], $0x7FFFF;
	_ =	strace $0x90000046  }
0xb6: {  	s29 =	simm.s32 $0x9;
	_ =	strace $0x80000048  }
0xb7: {  	_ =	swait.ge [sflag:s29], $0x1  }
0xb8: {  	[sflag:s29] =	ssyncadd.s32 $0xFFFFFFFF  }
0xb9: {  	_ =	strace $0x90000048  }
0xba: {  	_ =	sfence  }
0xbb: {  	s30 =	sld [smem:$0x0];
	_ =	sdelay $0x2  }
0xbc: {  	s31 =	sshll.u32 s1, $0xD;
	s1 =	sshrl.u32 s1, $0x2  }
0xbd: {  	s3 =	sand.u32 $0x4000, s31;
	s1 =	sadd.s32 s1, s30  }
0xbe: {  	s0 =	sor.u32 s3, s0;
	s1 =	sshll.u32 s1, $0x11  }
0xbf: {  	s0 =	sor.u32 s1, s0  }
0xc0: {  	s0 =	sadd.s32 $0x8F2B, s0  }
0xc1: {  	[sflag:s0] =	ssyncadd.remote.s32 $0x1  }
0xc2: {  	_ =	sfence.sel $0xFFFF  }
0xc3: {  	[dreg:$0x0] =	wrdreg $0xFFFFFFFF;
	(pc) =	sbr.abs _section_cstart, $3  }
0xc4: {  	[dreg:$0x1] =	wrdreg $0xFFFFFFFF  }
0xc5: {  	_ =	task.clear_ibuf [dreg:s9], $0x2FFFF;
	_ =	strace $0x9FFFFFFF  }
0xc6: {  	(tm) =	ssettm $0x7FFFFFFF  }
0xc7: {  	_ =	shalt  }
tec
execute0_lowered:
.L_overlay_start_1:
0x0: {  	(tag) =	ssettag $0x1  }
0x1: {  	s1 =	rddreg [dreg:$0x0]  }
0x2: {  	s2 =	rddreg [dreg:$0x1]  }
0x3: {  	s4 =	rddreg [dreg:$0x2]  }
0x4: {  	s0 =	rddreg [dreg:$0x3];
	s3 =	srdreg.scid  }
0x5: {  	s6 =	stileid.u32;
	s5 =	simm.s32 $0x0;
	s15 =	simm.s32 $0x3  }
0x6: {  	s16 =	simm.s32 $0x1000;
	s17 =	simm.s32 $0x7A1400;
	s20 =	simm.s32 $0x8000  }
0x7: {  	s21 =	simm.s32 $0x10200;
	s22 =	simm.s32 $0x10600;
	s23 =	simm.s32 $0x1  }
0x8: {  	s24 =	simm.s32 $0x10800;
	s25 =	simm.s32 $0x10A00;
	s28 =	simm.s32 $0x0  }
0x9: {  	s3 =	sand.u32 $0x1, s3;
	s6 =	sshll.u32 s6, $0x1;
	[smem:$0x7FF] =	sst s5  }
0xa: {  	s7 =	sadd.s32 $0x800, s0;
	s6 =	sor.u32 s3, s6;
	s3 =	ssub.s32 $0x2, s3  }
0xb: {  	s8 =	sadd.s32 $0xA00, s0;
	s6 =	smul.u32 $0x4800, s6;
	s26 =	sshrl.u32 s3, $0x1  }
0xc: {  	_ =	strace $0x80000047;
	[dreg:$0x5] =	wrdreg s7;
	s0 =	ssub.s32 s3, s26  }
0xd: {  	s26 =	simm.s32 $0x2;
	s29 =	sadd.s32 s1, s6;
	s30 =	sshrl.u32 s6, $0x3  }
0xe: {  	s12 =	sor.u32 $0x400, s6;
	[dreg:$0x6] =	wrdreg s29;
	s31 =	sadd.s32 s2, s30  }
0xf: {  	s13 =	smax.u32 s0, $0x1;
	s11 =	sadd.s32 s4, s30;
	[dreg:$0x7] =	wrdreg s31  }
.LBB2_1:
0x10: {  	s0 =	rddreg [dreg:$0x5];
	s3 =	simm.s32 $0x10C00  }
0x11: {  	[tilespmem:s3], [sflag:$0x3] =	stream.linear.gather [hbm4b:s0+s5], $0x80, $0x38;
	[tilespmem:$0x10C80] =	vst v63  }
0x12: {  	_ =	swait.ge [sflag:s15], $0x80  }
0x13: {  	[sflag:s15] =	ssyncset.done $0x0  }
0x14: {  	[sflag:s15] =	ssyncadd.s32 $0xFFFFFF80  }
0x15: {  	s18 =	rddreg [dreg:$0x6];
	v1 =	vld [tilespmem:$0x10C00]  }
0x16: {  	[tilespmem:s5], [sflag:$0x1] =	stream.strided.gather [hbm4b:s18+s16], $0x8000, s17, s16, $0x38;
	[tilespmem:$0x10C80] =	vst v63  }
0x17: {  	s30 =	simm.s32 $0x10000;
	s19 =	rddreg [dreg:$0x7]  }
0x18: {  	[tilespmem:s30], [sflag:$0x1] =	stream.linear.gather [hbm4b:s19+s5], $0x200, $0x38;
	[tilespmem:$0x10C80] =	vst v63  }
0x19: {  	s31 =	simm.s32 $0x10400  }
0x1a: {  	[tilespmem:s31], [sflag:$0x1] =	stream.linear.gather [hbm4b:s11+s5], $0x200, $0x38;
	v0 =	vadd.s32 $0x1, v1;
	v1 =	vand.u32 $0x3F, v1;
	[tilespmem:$0x10C80] =	vst v63  }
0x1b: {  	[tilespmem:$0x1FFE0] =	vst v1  }
0x1c: {  	s29 =	simm.s32 $0x0;
	[tilespmem:$0x1FFF0] =	vst v0  }
.LBB2_2:
0x1d: {  	s31 =	sshll.u32 s29, $0xA  }
0x1e: {  	s0 =	sadd.s32 s6, s31  }
0x1f: {  	s3 =	sadd.s32 $0x200, s0  }
0x20: {  	s7 =	sadd.s32 s1, s3;
	s30 =	sshrl.u32 s3, $0x3  }
0x21: {  	[tilespmem:s20], [sflag:$0x1] =	stream.strided.gather [hbm4b:s7+s16], $0x8000, s17, s16, $0x38;
	[tilespmem:$0x10C80] =	vst v63  }
0x22: {  	s3 =	sadd.s32 s2, s30  }
0x23: {  	[tilespmem:s21], [sflag:$0x1] =	stream.linear.gather [hbm4b:s3+s5], $0x200, $0x38;
	[tilespmem:$0x10C80] =	vst v63  }
0x24: {  	s14 =	sadd.s32 s4, s30  }
0x25: {  	[tilespmem:s22], [sflag:$0x1] =	stream.linear.gather [hbm4b:s14+s5], $0x200, $0x38;
	[tilespmem:$0x10C80] =	vst v63  }
0x26: {  	_ =	swait.ge [sflag:s23], $0x8000  }
0x27: {  	[sflag:s23] =	ssyncset.done $0x0  }
0x28: {  	[sflag:s23] =	ssyncadd.s32 $0xFFFF8000  }
0x29: {  	_ =	swait.ge [sflag:s23], $0x200  }
0x2a: {  	[sflag:s23] =	ssyncset.done $0x0  }
0x2b: {  	[sflag:s23] =	ssyncadd.s32 $0xFFFFFE00  }
0x2c: {  	_ =	swait.ge [sflag:s23], $0x200  }
0x2d: {  	p0 =	seq.s32 s29, $0x0;
	[sflag:s23] =	ssyncset.done $0x0  }
0x2e: {  	s3 =	simm.s32 @!p0 $0x2;
	[sflag:s23] =	ssyncadd.s32 $0xFFFFFE00  }
0x2f: {  	s18 =	simm.s32 $0x0;
	_ =	swait.ge @!p0 [sflag:s3], $0x200  }
0x30: {  	s9 =	sand.u32 $0x70, s18;
	s14 =	sand.u32 $0xC00, s18;
	[sflag:s3] =	ssyncset.done @!p0 $0x0  }
0x31: {  	s19 =	sor.u32 s9, s14;
	[sflag:s3] =	ssyncadd.s32 @!p0 $0xFFFFFE00  }
0x32: {  	v2 =	vld [tilespmem:s19+$0x0]  }
0x33: {  	v3 =	vld [tilespmem:s19+$0x80]  }
0x34: {  	v4 =	vld [tilespmem:s19+$0x100]  }
0x35: {  	v5 =	vld [tilespmem:s19+$0x180]  }
0x36: {  	v6 =	vld [tilespmem:s19+$0x200]  }
0x37: {  	s7 =	sor.u32 s18, s18;
	v7 =	vld [tilespmem:s19+$0x280]  }
0x38: {  	s7 =	sor.u32 $0x380, s7;
	v8 =	vld [tilespmem:s19+$0x300]  }
0x39: {  	v9 =	vld [tilespmem:s7+$0x0]  }
0x3a: {  	v10 =	vld [tilespmem:s19+$0x1000]  }
0x3b: {  	v11 =	vld [tilespmem:s19+$0x1080]  }
0x3c: {  	v12 =	vld [tilespmem:s19+$0x1100]  }
0x3d: {  	v13 =	vld [tilespmem:s19+$0x1180]  }
0x3e: {  	v14 =	vld [tilespmem:s19+$0x1200]  }
0x3f: {  	v15 =	vld [tilespmem:s19+$0x1280]  }
0x40: {  	v16 =	vld [tilespmem:s19+$0x1300]  }
0x41: {  	v17 =	vld [tilespmem:s19+$0x1380]  }
0x42: {  	v18 =	vld [tilespmem:s19+$0x2000]  }
0x43: {  	v19 =	vld [tilespmem:s19+$0x2080]  }
0x44: {  	v20 =	vld [tilespmem:s19+$0x2100]  }
0x45: {  	v21 =	vld [tilespmem:s19+$0x2180]  }
0x46: {  	v22 =	vld [tilespmem:s19+$0x2200]  }
0x47: {  	v23 =	vld [tilespmem:s19+$0x2280]  }
0x48: {  	v24 =	vld [tilespmem:s19+$0x2300]  }
0x49: {  	v25 =	vld [tilespmem:s19+$0x2380]  }
0x4a: {  	v26 =	vld [tilespmem:s19+$0x3000]  }
0x4b: {  	v27 =	vld [tilespmem:s19+$0x3080]  }
0x4c: {  	v28 =	vld [tilespmem:s19+$0x3100]  }
0x4d: {  	v29 =	vld [tilespmem:s19+$0x3180]  }
0x4e: {  	v30 =	vld [tilespmem:s19+$0x3200]  }
0x4f: {  	v31 =	vld [tilespmem:s19+$0x3280]  }
0x50: {  	v32 =	vld [tilespmem:s19+$0x3300]  }
0x51: {  	v33 =	vld [tilespmem:s19+$0x3380]  }
0x52: {  	v34 =	vld [tilespmem:s19+$0x4000]  }
0x53: {  	v35 =	vld [tilespmem:s19+$0x4080]  }
0x54: {  	v36 =	vld [tilespmem:s19+$0x4100]  }
0x55: {  	v37 =	vld [tilespmem:s19+$0x4180]  }
0x56: {  	v38 =	vld [tilespmem:s19+$0x4200]  }
0x57: {  	v39 =	vld [tilespmem:s19+$0x4280]  }
0x58: {  	v40 =	vld [tilespmem:s19+$0x4300]  }
0x59: {  	v41 =	vld [tilespmem:s19+$0x4380]  }
0x5a: {  	v42 =	vld [tilespmem:s19+$0x5000]  }
0x5b: {  	v43 =	vld [tilespmem:s19+$0x5080]  }
0x5c: {  	s9 =	simm.s32 $0x10000;
	v44 =	vld [tilespmem:s19+$0x5100]  }
0x5d: {  	v50 =	vld [tilespmem:s9+$0x0]  }
0x5e: {  	v45 =	vld [tilespmem:s19+$0x5180]  }
0x5f: {  	v46 =	vld [tilespmem:s19+$0x5200]  }
0x60: {  	v47 =	vld [tilespmem:s19+$0x5280]  }
0x61: {  	v48 =	vld [tilespmem:s19+$0x5300]  }
0x62: {  	v49 =	vld [tilespmem:s19+$0x5380];
	v50 =	vsub.s32 v0, v50  }
0x63: {  	v51 =	vld [tilespmem:s19+$0x6000];
	v57 =	vand.u32 $0x8, v50;
	v59 =	vand.u32 $0x10, v50;
	v60 =	vand.u32 $0x2, v50  }
0x64: {  	v52 =	vld [tilespmem:s19+$0x6080];
	v63 =	vand.u32 $0x1, v50;
	vm0 =	veq.s32 v57, $0x0;
	vm1 =	veq.s32 v59, $0x0  }
0x65: {  	v53 =	vld [tilespmem:s19+$0x6100];
	vm4 =	veq.s32 v63, $0x0;
	v59 =	vand.u32 $0x4, v50;
	vm3 =	veq.s32 v60, $0x0  }
0x66: {  	v54 =	vld [tilespmem:s19+$0x6180];
	vm2 =	veq.s32 v59, $0x0;
	v2 =	vsel vm4, v2, v3;
	v3 =	vsel vm4, v4, v5  }
0x67: {  	v55 =	vld [tilespmem:s19+$0x6200];
	v5 =	vsel vm4, v6, v7;
	v6 =	vsel vm4, v8, v9;
	v8 =	vsel vm4, v10, v11  }
0x68: {  	v56 =	vld [tilespmem:s19+$0x6280];
	v9 =	vand.u32 $0x3F, v50;
	v10 =	vand.u32 $0x20, v50;
	v11 =	vsel vm4, v12, v13  }
0x69: {  	v58 =	vld [tilespmem:s19+$0x6300];
	v13 =	vsel vm4, v14, v15;
	v15 =	vsel vm4, v16, v17;
	v16 =	vsel vm4, v18, v19  }
0x6a: {  	v57 =	vld [tilespmem:s19+$0x6380];
	v18 =	vsel vm4, v20, v21;
	v19 =	vsel vm4, v22, v23;
	v20 =	vsel vm4, v24, v25  }
0x6b: {  	v60 =	vld [tilespmem:s19+$0x7000];
	v22 =	vsel vm4, v26, v27;
	v23 =	vsel vm4, v28, v29;
	v24 =	vsel vm4, v30, v31  }
0x6c: {  	v4 =	vld [tilespmem:s19+$0x7080];
	v26 =	vsel vm4, v32, v33;
	v27 =	vsel vm4, v34, v35;
	v28 =	vsel vm4, v36, v37  }
0x6d: {  	v7 =	vld [tilespmem:s19+$0x7100];
	v29 =	vsel vm4, v38, v39;
	v30 =	vsel vm4, v40, v41;
	v31 =	vsel vm4, v42, v43  }
0x6e: {  	v12 =	vld [tilespmem:s19+$0x7180];
	v45 =	vsel vm4, v44, v45;
	v47 =	vsel vm4, v46, v47;
	v50 =	vsel vm4, v48, v49  }
0x6f: {  	v14 =	vld [tilespmem:s19+$0x7200];
	v52 =	vsel vm4, v51, v52;
	v54 =	vsel vm4, v53, v54;
	v56 =	vsel vm4, v55, v56  }
0x70: {  	v17 =	vld [tilespmem:s19+$0x7280];
	v2 =	vsel vm3, v2, v3;
	v3 =	vsel vm3, v5, v6;
	v5 =	vsel vm3, v8, v11  }
0x71: {  	v21 =	vld [tilespmem:s19+$0x7300];
	v6 =	vsel vm3, v13, v15;
	v8 =	vsel vm3, v16, v18;
	v11 =	vsel vm3, v19, v20  }
0x72: {  	v25 =	vld [tilespmem:s19+$0x7380];
	v13 =	vsel vm3, v22, v23;
	v15 =	vsel vm3, v24, v26;
	v16 =	vsel vm3, v27, v28  }
0x73: {  	v18 =	vsel vm3, v31, v45;
	v19 =	vsel vm3, v47, v50;
	v20 =	vsel vm3, v52, v54  }
0x74: {  	v2 =	vsel vm2, v2, v3;
	v3 =	vsel vm2, v5, v6;
	v5 =	vsel vm2, v8, v11  }
0x75: {  	v6 =	vsel vm2, v13, v15;
	v11 =	vsel vm2, v18, v19;
	v2 =	vsel vm0, v2, v3  }
0x76: {  	v59 =	vsel vm4, v58, v57;
	v4 =	vsel vm4, v60, v4;
	v7 =	vsel vm4, v7, v12  }
0x77: {  	v1 =	vld [tilespmem:$0x1FFE0];
	s3 =	simm.s32 $0x10400;
	v12 =	vsel vm4, v14, v17;
	v14 =	vsel vm4, v21, v25;
	v17 =	vsel vm3, v29, v30  }
0x78: {  	v21 =	vsel vm3, v56, v59;
	v4 =	vsel vm3, v4, v7;
	v7 =	vsel vm3, v12, v14;
	v12 =	vld [tilespmem:s3+$0x0]  }
0x79: {  	v8 =	vsel vm2, v16, v17;
	v13 =	vsel vm2, v20, v21;
	v4 =	vsel vm2, v4, v7  }
0x7a: {  	v3 =	vsel vm0, v5, v6;
	v5 =	vsel vm0, v8, v11;
	v4 =	vsel vm0, v13, v4  }
0x7b: {  	v2 =	vsel vm1, v2, v3;
	vm0 =	veq.s32 v10, $0x0;
	v3 =	vsel vm1, v5, v4  }
0x7c: {  	s18 =	simm.s32 $0x80;
	s9 =	simm.s32 $0x10;
	v2 =	vsel vm0, v2, v3;
	vm0 =	veq.s32 v9, v1  }
0x7d: {  	s14 =	simm.s32 $0x10800;
	s10 =	sand.u32 $0x70, s9;
	s19 =	sand.u32 $0xC00, s18;
	v2 =	vsel vm0, v12, v2  }
0x7e: {  	s7 =	sor.u32 s10, s19;
	[tilespmem:s14+$0x0] =	vst v2  }
0x7f: {  	v2 =	vld [tilespmem:s7+$0x0]  }
0x80: {  	v3 =	vld [tilespmem:s7+$0x80]  }
0x81: {  	v5 =	vld [tilespmem:s7+$0x100]  }
0x82: {  	v6 =	vld [tilespmem:s7+$0x180]  }
0x83: {  	v7 =	vld [tilespmem:s7+$0x200]  }
0x84: {  	s9 =	sor.u32 s18, s9;
	v8 =	vld [tilespmem:s7+$0x280]  }
0x85: {  	s9 =	sor.u32 $0x380, s9;
	v10 =	vld [tilespmem:s7+$0x300]  }
0x86: {  	v11 =	vld [tilespmem:s9+$0x0]  }
0x87: {  	v12 =	vld [tilespmem:s7+$0x1000]  }
0x88: {  	v13 =	vld [tilespmem:s7+$0x1080]  }
0x89: {  	v14 =	vld [tilespmem:s7+$0x1100]  }
0x8a: {  	v15 =	vld [tilespmem:s7+$0x1180]  }
0x8b: {  	v16 =	vld [tilespmem:s7+$0x1200]  }
0x8c: {  	v17 =	vld [tilespmem:s7+$0x1280]  }
0x8d: {  	v18 =	vld [tilespmem:s7+$0x1300]  }
0x8e: {  	v19 =	vld [tilespmem:s7+$0x1380]  }
0x8f: {  	v20 =	vld [tilespmem:s7+$0x2000]  }
0x90: {  	v21 =	vld [tilespmem:s7+$0x2080]  }
0x91: {  	v22 =	vld [tilespmem:s7+$0x2100]  }
0x92: {  	v23 =	vld [tilespmem:s7+$0x2180]  }
0x93: {  	v24 =	vld [tilespmem:s7+$0x2200]  }
0x94: {  	v25 =	vld [tilespmem:s7+$0x2280]  }
0x95: {  	v26 =	vld [tilespmem:s7+$0x2300]  }
0x96: {  	v27 =	vld [tilespmem:s7+$0x2380]  }
0x97: {  	v28 =	vld [tilespmem:s7+$0x3000]  }
0x98: {  	v29 =	vld [tilespmem:s7+$0x3080]  }
0x99: {  	v30 =	vld [tilespmem:s7+$0x3100]  }
0x9a: {  	v31 =	vld [tilespmem:s7+$0x3180]  }
0x9b: {  	v32 =	vld [tilespmem:s7+$0x3200]  }
0x9c: {  	v33 =	vld [tilespmem:s7+$0x3280]  }
0x9d: {  	v34 =	vld [tilespmem:s7+$0x3300]  }
0x9e: {  	v35 =	vld [tilespmem:s7+$0x3380]  }
0x9f: {  	v36 =	vld [tilespmem:s7+$0x4000]  }
0xa0: {  	v37 =	vld [tilespmem:s7+$0x4080]  }
0xa1: {  	v38 =	vld [tilespmem:s7+$0x4100]  }
0xa2: {  	v39 =	vld [tilespmem:s7+$0x4180]  }
0xa3: {  	v40 =	vld [tilespmem:s7+$0x4200]  }
0xa4: {  	v41 =	vld [tilespmem:s7+$0x4280]  }
0xa5: {  	v42 =	vld [tilespmem:s7+$0x4300]  }
0xa6: {  	v43 =	vld [tilespmem:s7+$0x4380]  }
0xa7: {  	v44 =	vld [tilespmem:s7+$0x5000]  }
0xa8: {  	v45 =	vld [tilespmem:s7+$0x5080]  }
0xa9: {  	v46 =	vld [tilespmem:s7+$0x5100]  }
0xaa: {  	v47 =	vld [tilespmem:s7+$0x5180]  }
0xab: {  	s19 =	simm.s32 $0x10010;
	v48 =	vld [tilespmem:s7+$0x5200]  }
0xac: {  	v4 =	vld [tilespmem:s19+$0x0]  }
0xad: {  	v49 =	vld [tilespmem:s7+$0x5280]  }
0xae: {  	v50 =	vld [tilespmem:s7+$0x5300]  }
0xaf: {  	v51 =	vld [tilespmem:s7+$0x5380]  }
0xb0: {  	v52 =	vld [tilespmem:s7+$0x6000]  }
0xb1: {  	v53 =	vld [tilespmem:s7+$0x6080];
	v54 =	vsub.s32 v0, v4  }
0xb2: {  	v60 =	vld [tilespmem:s7+$0x6100];
	v4 =	vand.u32 $0x8, v54  }
0xb3: {  	v61 =	vld [tilespmem:s7+$0x6180];
	v9 =	vand.u32 $0x10, v54;
	vm1 =	veq.s32 v4, $0x0  }
0xb4: {  	v62 =	vld [tilespmem:s7+$0x6200];
	v4 =	vand.u32 $0x2, v54;
	vm0 =	veq.s32 v9, $0x0;
	v9 =	vand.u32 $0x1, v54  }
0xb5: {  	v63 =	vld [tilespmem:s7+$0x6280];
	vm4 =	veq.s32 v9, $0x0;
	vm3 =	veq.s32 v4, $0x0;
	v4 =	vand.u32 $0x4, v54  }
0xb6: {  	v9 =	vld [tilespmem:s7+$0x6300];
	vm2 =	veq.s32 v4, $0x0;
	v4 =	vsel vm4, v2, v3;
	v5 =	vsel vm4, v5, v6  }
0xb7: {  	v6 =	vsel vm4, v7, v8;
	v7 =	vsel vm4, v10, v11;
	v8 =	vsel vm4, v12, v13;
	v10 =	vld [tilespmem:s7+$0x6380]  }
0xb8: {  	v12 =	vsel vm4, v14, v15;
	v13 =	vsel vm4, v16, v17;
	v14 =	vsel vm4, v18, v19;
	v11 =	vld [tilespmem:s7+$0x7000]  }
0xb9: {  	v15 =	vsel vm4, v20, v21;
	v17 =	vsel vm4, v22, v23;
	v18 =	vsel vm4, v24, v25;
	v16 =	vld [tilespmem:s7+$0x7080]  }
0xba: {  	v19 =	vsel vm4, v26, v27;
	v20 =	vsel vm4, v28, v29;
	v22 =	vsel vm4, v30, v31;
	v21 =	vld [tilespmem:s7+$0x7100]  }
0xbb: {  	v23 =	vsel vm4, v32, v33;
	v24 =	vsel vm4, v34, v35;
	v25 =	vsel vm4, v36, v37;
	v28 =	vld [tilespmem:s7+$0x7180]  }
0xbc: {  	v26 =	vsel vm4, v38, v39;
	v27 =	vsel vm4, v40, v41;
	v29 =	vsel vm4, v42, v43;
	v33 =	vld [tilespmem:s7+$0x7200]  }
0xbd: {  	v30 =	vsel vm4, v44, v45;
	v31 =	vsel vm4, v46, v47;
	v32 =	vsel vm4, v48, v49;
	v38 =	vld [tilespmem:s7+$0x7280]  }
0xbe: {  	v34 =	vsel vm4, v50, v51;
	v35 =	vsel vm4, v52, v53;
	v39 =	vld [tilespmem:s7+$0x7300];
	v36 =	vsel vm4, v60, v61  }
0xbf: {  	v43 =	vand.u32 $0x3F, v54;
	v3 =	vand.u32 $0x20, v54;
	v37 =	vsel vm4, v62, v63;
	v40 =	vld [tilespmem:s7+$0x7380];
	s7 =	simm.s32 $0x20  }
.LBB2_3:
0xc0: {  	v4 =	vsel vm3, v4, v5;
	v5 =	vsel vm3, v6, v7;
	v6 =	vsel vm3, v8, v12  }
0xc1: {  	v7 =	vsel vm3, v13, v14;
	v8 =	vsel vm3, v15, v17;
	v12 =	vsel vm3, v18, v19  }
0xc2: {  	v13 =	vsel vm3, v20, v22;
	v14 =	vsel vm3, v23, v24;
	v15 =	vsel vm3, v25, v26  }
0xc3: {  	v17 =	vsel vm3, v27, v29;
	v18 =	vsel vm3, v30, v31;
	v19 =	vsel vm3, v32, v34  }
0xc4: {  	v20 =	vsel vm3, v35, v36;
	v4 =	vsel vm2, v4, v5;
	v5 =	vsel vm2, v6, v7  }
0xc5: {  	v6 =	vsel vm2, v8, v12;
	v7 =	vsel vm2, v13, v14;
	v8 =	vsel vm2, v15, v17  }
0xc6: {  	v12 =	vsel vm2, v18, v19;
	v9 =	vsel vm4, v9, v10;
	v10 =	vsel vm4, v11, v16  }
0xc7: {  	s3 =	sadd.s32 $0x10, s3;
	v0 =	vld [tilespmem:$0x1FFE0];
	v11 =	vsel vm4, v21, v28;
	v16 =	vsel vm4, v33, v38;
	v21 =	vsel vm4, v39, v40  }
0xc8: {  	v13 =	vld [tilespmem:s3+$0x0];
	v9 =	vsel vm3, v37, v9;
	v10 =	vsel vm3, v10, v11;
	v11 =	vsel vm3, v16, v21  }
0xc9: {  	v4 =	vsel vm1, v4, v5;
	v9 =	vsel vm2, v20, v9;
	v10 =	vsel vm2, v10, v11  }
0xca: {  	v5 =	vsel vm1, v6, v7;
	v6 =	vsel vm1, v8, v12;
	v7 =	vsel vm1, v9, v10  }
0xcb: {  	v4 =	vsel vm0, v4, v5;
	v5 =	vsel vm0, v6, v7;
	vm0 =	veq.s32 v3, $0x0  }
0xcc: {  	s18 =	sadd.s32 $0x80, s18;
	v3 =	vsel vm0, v4, v5;
	vm0 =	veq.s32 v43, v0  }
0xcd: {  	s9 =	sand.u32 $0x70, s7;
	s14 =	sadd.s32 $0x10, s14;
	s10 =	sand.u32 $0xC00, s18;
	v2 =	vsel vm0, v13, v3  }
0xce: {  	s9 =	sor.u32 s9, s10;
	v3 =	vld [tilespmem:$0x1FFF0];
	[tilespmem:s14+$0x0] =	vst v2  }
0xcf: {  	v0 =	vld [tilespmem:s9+$0x0]  }
0xd0: {  	v4 =	vld [tilespmem:s9+$0x80]  }
0xd1: {  	v6 =	vld [tilespmem:s9+$0x100]  }
0xd2: {  	v5 =	vld [tilespmem:s9+$0x180]  }
0xd3: {  	v8 =	vld [tilespmem:s9+$0x200]  }
0xd4: {  	s10 =	sor.u32 s18, s7;
	v12 =	vld [tilespmem:s9+$0x280]  }
0xd5: {  	s10 =	sor.u32 $0x380, s10;
	v13 =	vld [tilespmem:s9+$0x300]  }
0xd6: {  	v7 =	vld [tilespmem:s10+$0x0]  }
0xd7: {  	v15 =	vld [tilespmem:s9+$0x1000]  }
0xd8: {  	v17 =	vld [tilespmem:s9+$0x1080]  }
0xd9: {  	v18 =	vld [tilespmem:s9+$0x1100]  }
0xda: {  	v19 =	vld [tilespmem:s9+$0x1180]  }
0xdb: {  	v20 =	vld [tilespmem:s9+$0x1200]  }
0xdc: {  	v22 =	vld [tilespmem:s9+$0x1280]  }
0xdd: {  	v38 =	vld [tilespmem:s9+$0x1300]  }
0xde: {  	v14 =	vld [tilespmem:s9+$0x1380]  }
0xdf: {  	v25 =	vld [tilespmem:s9+$0x2000]  }
0xe0: {  	v26 =	vld [tilespmem:s9+$0x2080]  }
0xe1: {  	v27 =	vld [tilespmem:s9+$0x2100]  }
0xe2: {  	v29 =	vld [tilespmem:s9+$0x2180]  }
0xe3: {  	v30 =	vld [tilespmem:s9+$0x2200]  }
0xe4: {  	v31 =	vld [tilespmem:s9+$0x2280]  }
0xe5: {  	v32 =	vld [tilespmem:s9+$0x2300]  }
0xe6: {  	v34 =	vld [tilespmem:s9+$0x2380]  }
0xe7: {  	v35 =	vld [tilespmem:s9+$0x3000]  }
0xe8: {  	v36 =	vld [tilespmem:s9+$0x3080]  }
0xe9: {  	v37 =	vld [tilespmem:s9+$0x3100]  }
0xea: {  	v40 =	vld [tilespmem:s9+$0x3180]  }
0xeb: {  	v23 =	vld [tilespmem:s9+$0x3200]  }
0xec: {  	v42 =	vld [tilespmem:s9+$0x3280]  }
0xed: {  	v24 =	vld [tilespmem:s9+$0x3300]  }
0xee: {  	v44 =	vld [tilespmem:s9+$0x3380]  }
0xef: {  	v45 =	vld [tilespmem:s9+$0x4000]  }
0xf0: {  	v46 =	vld [tilespmem:s9+$0x4080]  }
0xf1: {  	v47 =	vld [tilespmem:s9+$0x4100]  }
0xf2: {  	v48 =	vld [tilespmem:s9+$0x4180]  }
0xf3: {  	v49 =	vld [tilespmem:s9+$0x4200]  }
0xf4: {  	v50 =	vld [tilespmem:s9+$0x4280]  }
0xf5: {  	v51 =	vld [tilespmem:s9+$0x4300]  }
0xf6: {  	v52 =	vld [tilespmem:s9+$0x4380]  }
0xf7: {  	v53 =	vld [tilespmem:s9+$0x5000]  }
0xf8: {  	v54 =	vld [tilespmem:s9+$0x5080]  }
0xf9: {  	v55 =	vld [tilespmem:s9+$0x5100]  }
0xfa: {  	v56 =	vld [tilespmem:s9+$0x5180]  }
0xfb: {  	v57 =	vld [tilespmem:s9+$0x5200]  }
0xfc: {  	v58 =	vld [tilespmem:s9+$0x5280]  }
0xfd: {  	s19 =	sadd.s32 $0x10, s19;
	v59 =	vld [tilespmem:s9+$0x5300]  }
0xfe: {  	v2 =	vld [tilespmem:s19+$0x0]  }
0xff: {  	v60 =	vld [tilespmem:s9+$0x5380]  }
0x100: {  	v61 =	vld [tilespmem:s9+$0x6000]  }
0x101: {  	v62 =	vld [tilespmem:s9+$0x6080]  }
0x102: {  	v63 =	vld [tilespmem:s9+$0x6100]  }
0x103: {  	v1 =	vld [tilespmem:s9+$0x6200];
	v16 =	vsub.s32 v3, v2  }
0x104: {  	v9 =	vld [tilespmem:s9+$0x6300];
	v43 =	vand.u32 $0x3F, v16;
	v21 =	vand.u32 $0x10, v16;
	v3 =	vand.u32 $0x20, v16  }
0x105: {  	v10 =	vld [tilespmem:s9+$0x6380];
	v28 =	vand.u32 $0x2, v16;
	v33 =	vand.u32 $0x4, v16;
	v39 =	vand.u32 $0x8, v16  }
0x106: {  	v11 =	vld [tilespmem:s9+$0x7000];
	v41 =	vand.u32 $0x1, v16;
	vm1 =	veq.s32 v39, $0x0;
	vm0 =	veq.s32 v21, $0x0  }
0x107: {  	[tilespmem:$0x1FFD0] =	vst v0;
	v0 =	vld [tilespmem:s9+$0x6180];
	vm4 =	veq.s32 v41, $0x0;
	vm3 =	veq.s32 v28, $0x0;
	vm2 =	veq.s32 v33, $0x0  }
0x108: {  	v2 =	vld [tilespmem:s9+$0x6280];
	v5 =	vsel vm4, v6, v5;
	v6 =	vsel vm4, v8, v12;
	v7 =	vsel vm4, v13, v7  }
0x109: {  	v16 =	vld [tilespmem:s9+$0x7080];
	v8 =	vsel vm4, v15, v17;
	v12 =	vsel vm4, v18, v19;
	v13 =	vsel vm4, v20, v22  }
0x10a: {  	v21 =	vld [tilespmem:s9+$0x7100];
	v14 =	vsel vm4, v38, v14;
	v15 =	vsel vm4, v25, v26;
	v17 =	vsel vm4, v27, v29  }
0x10b: {  	p1 =	sne.s32 s7, $0x1F0;
	v28 =	vld [tilespmem:$0x1FFD0];
	v18 =	vsel vm4, v30, v31;
	v19 =	vsel vm4, v32, v34;
	v20 =	vsel vm4, v35, v36  }
.Ltmp0:
0x10c: {  	v33 =	vld [tilespmem:s9+$0x7200];
	v22 =	vsel vm4, v37, v40;
	v23 =	vsel vm4, v23, v42;
	v24 =	vsel vm4, v24, v44;
	(pc) =	sbr.rel @p1 .LBB2_3-.Ltmp0, $4  }
0x10d: {  	v39 =	vld [tilespmem:s9+$0x7300];
	v25 =	vsel vm4, v45, v46;
	v26 =	vsel vm4, v47, v48;
	v27 =	vsel vm4, v49, v50  }
0x10e: {  	v38 =	vld [tilespmem:s9+$0x7280];
	v29 =	vsel vm4, v51, v52;
	v30 =	vsel vm4, v53, v54;
	v31 =	vsel vm4, v55, v56  }
0x10f: {  	v40 =	vld [tilespmem:s9+$0x7380];
	v32 =	vsel vm4, v57, v58;
	v34 =	vsel vm4, v59, v60;
	v35 =	vsel vm4, v61, v62  }
0x110: {  	s7 =	sadd.s32 $0x10, s7;
	v36 =	vsel vm4, v63, v0;
	v37 =	vsel vm4, v1, v2;
	v4 =	vsel vm4, v28, v4;
	v28 =	vld [tilespmem:s9+$0x7180]  }
0x111: {  	v0 =	vsel vm4, v9, v10;
	v1 =	vsel vm4, v11, v16;
	v4 =	vsel vm3, v4, v5  }
0x112: {  	v5 =	vsel vm3, v6, v7;
	v6 =	vsel vm3, v8, v12;
	v7 =	vsel vm3, v13, v14  }
0x113: {  	v8 =	vsel vm3, v15, v17;
	v11 =	vsel vm3, v18, v19;
	v12 =	vsel vm3, v20, v22  }
0x114: {  	v13 =	vsel vm3, v23, v24;
	v14 =	vsel vm3, v25, v26;
	v15 =	vsel vm3, v27, v29  }
0x115: {  	v16 =	vsel vm3, v30, v31;
	v17 =	vsel vm3, v32, v34;
	v18 =	vsel vm3, v35, v36  }
0x116: {  	v0 =	vsel vm3, v37, v0;
	v4 =	vsel vm2, v4, v5;
	v5 =	vsel vm2, v6, v7  }
0x117: {  	v6 =	vsel vm2, v8, v11;
	v7 =	vsel vm2, v12, v13;
	v8 =	vsel vm2, v14, v15  }
0x118: {  	s3 =	sadd.s32 $0x10, s3;
	v59 =	vld [tilespmem:$0x1FFE0];
	v9 =	vsel vm4, v33, v38;
	v10 =	vsel vm4, v39, v40;
	v2 =	vsel vm4, v21, v28  }
0x119: {  	v0 =	vsel vm2, v18, v0;
	v1 =	vsel vm3, v1, v2;
	v2 =	vsel vm3, v9, v10;
	v10 =	vld [tilespmem:s3+$0x0]  }
0x11a: {  	v9 =	vsel vm2, v16, v17;
	v1 =	vsel vm2, v1, v2;
	v2 =	vsel vm1, v4, v5  }
0x11b: {  	v4 =	vsel vm1, v6, v7;
	v5 =	vsel vm1, v8, v9;
	v0 =	vsel vm1, v0, v1  }
0x11c: {  	v1 =	vsel vm0, v2, v4;
	v0 =	vsel vm0, v5, v0;
	vm0 =	veq.s32 v3, $0x0  }
0x11d: {  	v0 =	vsel vm0, v1, v0;
	vm0 =	veq.s32 v43, v59  }
0x11e: {  	s14 =	sadd.s32 $0x10, s14;
	s0 =	sshrl.u32 s0, $0x3;
	v0 =	vsel vm0, v10, v0  }
0x11f: {  	p1 =	seq.s32 s29, $0x11;
	s0 =	sadd.s32 s8, s0;
	[tilespmem:s14+$0x0] =	vst v0  }
0x120: {  	[hbm4b:s0+s5] =	stream.linear.scatter [tilespmem:s24], [sflag:$0x2], $0x200, $0x38;
	[tilespmem:$0x10C80] =	vst v63  }
0x121: {  	s7 =	simm.s32 @!p1 $0x1000;
	s9 =	simm.s32 @!p1 $0x7A1400;
	s0 =	sadd.s32 @!p1 s31, s12  }
0x122: {  	s10 =	simm.s32 @!p1 $0x0;
	s3 =	sadd.s32 @!p1 s1, s0;
	s0 =	sshrl.u32 @!p1 s0, $0x3  }
0x123: {  	[tilespmem:s10], [sflag:$0x1] =	stream.strided.gather @!p1 [hbm4b:s3+s7], $0x8000, s9, s7, $0x38;
	[tilespmem:$0x10C80] =	vst v63  }
0x124: {  	s3 =	sadd.s32 @!p1 s2, s0;
	s7 =	simm.s32 @!p1 $0x10000  }
0x125: {  	[tilespmem:s7], [sflag:$0x1] =	stream.linear.gather @!p1 [hbm4b:s3+s10], $0x200, $0x38;
	[tilespmem:$0x10C80] =	vst v63  }
0x126: {  	s0 =	sadd.s32 @!p1 s4, s0;
	s3 =	simm.s32 @!p1 $0x10400  }
0x127: {  	[tilespmem:s3], [sflag:$0x1] =	stream.linear.gather @!p1 [hbm4b:s0+s10], $0x200, $0x38;
	[tilespmem:$0x10C80] =	vst v63  }
0x128: {  	_ =	swait.ge [sflag:s23], $0x8000  }
0x129: {  	[sflag:s23] =	ssyncset.done $0x0  }
0x12a: {  	[sflag:s23] =	ssyncadd.s32 $0xFFFF8000  }
0x12b: {  	_ =	swait.ge [sflag:s23], $0x200  }
0x12c: {  	[sflag:s23] =	ssyncset.done $0x0  }
0x12d: {  	[sflag:s23] =	ssyncadd.s32 $0xFFFFFE00  }
0x12e: {  	_ =	swait.ge [sflag:s23], $0x200  }
0x12f: {  	[sflag:s23] =	ssyncset.done $0x0  }
0x130: {  	s0 =	simm.s32 @!p0 $0x2;
	[sflag:s23] =	ssyncadd.s32 $0xFFFFFE00  }
0x131: {  	s18 =	simm.s32 $0x0;
	_ =	swait.ge @!p0 [sflag:s0], $0x200  }
0x132: {  	s19 =	sand.u32 $0x70, s18;
	s31 =	sand.u32 $0xC00, s18;
	[sflag:s0] =	ssyncset.done @!p0 $0x0  }
0x133: {  	s10 =	sor.u32 s19, s31;
	v60 =	vld [tilespmem:$0x1FFF0];
	[sflag:s0] =	ssyncadd.s32 @!p0 $0xFFFFFE00  }
0x134: {  	v0 =	vld [tilespmem:s10+$0x8000]  }
0x135: {  	v1 =	vld [tilespmem:s10+$0x8080]  }
0x136: {  	v2 =	vld [tilespmem:s10+$0x8100]  }
0x137: {  	v3 =	vld [tilespmem:s10+$0x8180]  }
0x138: {  	v4 =	vld [tilespmem:s10+$0x8200]  }
0x139: {  	s3 =	sor.u32 s18, s18;
	v5 =	vld [tilespmem:s10+$0x8280]  }
0x13a: {  	s3 =	sor.u32 $0x380, s3;
	v6 =	vld [tilespmem:s10+$0x8300]  }
0x13b: {  	v7 =	vld [tilespmem:s3+$0x8000]  }
0x13c: {  	v8 =	vld [tilespmem:s10+$0x9000]  }
0x13d: {  	v9 =	vld [tilespmem:s10+$0x9080]  }
0x13e: {  	v10 =	vld [tilespmem:s10+$0x9100]  }
0x13f: {  	v11 =	vld [tilespmem:s10+$0x9180]  }
0x140: {  	v12 =	vld [tilespmem:s10+$0x9200]  }
0x141: {  	v13 =	vld [tilespmem:s10+$0x9280]  }
0x142: {  	v14 =	vld [tilespmem:s10+$0x9300]  }
0x143: {  	v15 =	vld [tilespmem:s10+$0x9380]  }
0x144: {  	v16 =	vld [tilespmem:s10+$0xA000]  }
0x145: {  	v17 =	vld [tilespmem:s10+$0xA080]  }
0x146: {  	v18 =	vld [tilespmem:s10+$0xA100]  }
0x147: {  	v19 =	vld [tilespmem:s10+$0xA180]  }
0x148: {  	v20 =	vld [tilespmem:s10+$0xA200]  }
0x149: {  	v21 =	vld [tilespmem:s10+$0xA280]  }
0x14a: {  	v22 =	vld [tilespmem:s10+$0xA300]  }
0x14b: {  	v23 =	vld [tilespmem:s10+$0xA380]  }
0x14c: {  	v24 =	vld [tilespmem:s10+$0xB000]  }
0x14d: {  	v25 =	vld [tilespmem:s10+$0xB080]  }
0x14e: {  	v26 =	vld [tilespmem:s10+$0xB100]  }
0x14f: {  	v27 =	vld [tilespmem:s10+$0xB180]  }
0x150: {  	v28 =	vld [tilespmem:s10+$0xB200]  }
0x151: {  	v29 =	vld [tilespmem:s10+$0xB280]  }
0x152: {  	v30 =	vld [tilespmem:s10+$0xB300]  }
0x153: {  	v31 =	vld [tilespmem:s10+$0xB380]  }
0x154: {  	v32 =	vld [tilespmem:s10+$0xC000]  }
0x155: {  	v33 =	vld [tilespmem:s10+$0xC080]  }
0x156: {  	v34 =	vld [tilespmem:s10+$0xC100]  }
0x157: {  	v35 =	vld [tilespmem:s10+$0xC180]  }
0x158: {  	v36 =	vld [tilespmem:s10+$0xC200]  }
0x159: {  	v37 =	vld [tilespmem:s10+$0xC280]  }
0x15a: {  	v38 =	vld [tilespmem:s10+$0xC300]  }
0x15b: {  	v39 =	vld [tilespmem:s10+$0xC380]  }
0x15c: {  	v40 =	vld [tilespmem:s10+$0xD000]  }
0x15d: {  	v41 =	vld [tilespmem:s10+$0xD080]  }
0x15e: {  	s14 =	simm.s32 $0x10200;
	v42 =	vld [tilespmem:s10+$0xD100]  }
0x15f: {  	v48 =	vld [tilespmem:s14+$0x0]  }
0x160: {  	v43 =	vld [tilespmem:s10+$0xD180]  }
0x161: {  	v44 =	vld [tilespmem:s10+$0xD200]  }
0x162: {  	v45 =	vld [tilespmem:s10+$0xD280]  }
0x163: {  	v46 =	vld [tilespmem:s10+$0xD300]  }
0x164: {  	v47 =	vld [tilespmem:s10+$0xD380];
	v48 =	vsub.s32 v60, v48  }
0x165: {  	v49 =	vld [tilespmem:s10+$0xE000];
	v55 =	vand.u32 $0x8, v48;
	v57 =	vand.u32 $0x10, v48;
	v58 =	vand.u32 $0x2, v48  }
0x166: {  	v50 =	vld [tilespmem:s10+$0xE080];
	v61 =	vand.u32 $0x1, v48;
	v62 =	vand.u32 $0x4, v48;
	vm0 =	veq.s32 v55, $0x0  }
0x167: {  	v51 =	vld [tilespmem:s10+$0xE100];
	vm1 =	veq.s32 v57, $0x0;
	vm4 =	veq.s32 v61, $0x0;
	vm3 =	veq.s32 v58, $0x0  }
0x168: {  	v52 =	vld [tilespmem:s10+$0xE180];
	vm2 =	veq.s32 v62, $0x0;
	v0 =	vsel vm4, v0, v1;
	v1 =	vsel vm4, v2, v3  }
0x169: {  	v53 =	vld [tilespmem:s10+$0xE200];
	v3 =	vsel vm4, v4, v5;
	v4 =	vsel vm4, v6, v7;
	v6 =	vsel vm4, v8, v9  }
0x16a: {  	v54 =	vld [tilespmem:s10+$0xE280];
	v7 =	vand.u32 $0x3F, v48;
	v8 =	vand.u32 $0x20, v48;
	v9 =	vsel vm4, v10, v11  }
0x16b: {  	v56 =	vld [tilespmem:s10+$0xE300];
	v11 =	vsel vm4, v12, v13;
	v13 =	vsel vm4, v14, v15;
	v14 =	vsel vm4, v16, v17  }
0x16c: {  	v63 =	vld [tilespmem:s10+$0xF000];
	v16 =	vsel vm4, v18, v19;
	v17 =	vsel vm4, v20, v21;
	v18 =	vsel vm4, v22, v23  }
0x16d: {  	v55 =	vld [tilespmem:s10+$0xE380];
	v20 =	vsel vm4, v24, v25;
	v21 =	vsel vm4, v26, v27;
	v22 =	vsel vm4, v28, v29  }
0x16e: {  	v2 =	vld [tilespmem:s10+$0xF080];
	v24 =	vsel vm4, v30, v31;
	v25 =	vsel vm4, v32, v33;
	v26 =	vsel vm4, v34, v35  }
0x16f: {  	v5 =	vld [tilespmem:s10+$0xF100];
	v27 =	vsel vm4, v36, v37;
	v28 =	vsel vm4, v38, v39;
	v29 =	vsel vm4, v40, v41  }
0x170: {  	v10 =	vld [tilespmem:s10+$0xF180];
	v30 =	vsel vm4, v42, v43;
	v31 =	vsel vm4, v44, v45;
	v48 =	vsel vm4, v46, v47  }
0x171: {  	v12 =	vld [tilespmem:s10+$0xF200];
	v50 =	vsel vm4, v49, v50;
	v52 =	vsel vm4, v51, v52;
	v54 =	vsel vm4, v53, v54  }
0x172: {  	v15 =	vld [tilespmem:s10+$0xF280];
	v0 =	vsel vm3, v0, v1;
	v1 =	vsel vm3, v3, v4;
	v3 =	vsel vm3, v6, v9  }
0x173: {  	v19 =	vld [tilespmem:s10+$0xF300];
	v4 =	vsel vm3, v11, v13;
	v6 =	vsel vm3, v14, v16;
	v9 =	vsel vm3, v17, v18  }
0x174: {  	v23 =	vld [tilespmem:s10+$0xF380];
	v11 =	vsel vm3, v20, v21;
	v13 =	vsel vm3, v22, v24;
	v14 =	vsel vm3, v25, v26  }
0x175: {  	v16 =	vsel vm3, v29, v30;
	v17 =	vsel vm3, v31, v48;
	v18 =	vsel vm3, v50, v52  }
0x176: {  	v0 =	vsel vm2, v0, v1;
	v1 =	vsel vm2, v3, v4;
	v3 =	vsel vm2, v6, v9  }
0x177: {  	v4 =	vsel vm2, v11, v13;
	v9 =	vsel vm2, v16, v17;
	v0 =	vsel vm0, v0, v1  }
0x178: {  	v57 =	vsel vm4, v56, v55;
	v2 =	vsel vm4, v63, v2;
	v5 =	vsel vm4, v5, v10  }
0x179: {  	s0 =	simm.s32 $0x10600;
	v10 =	vsel vm4, v12, v15;
	v12 =	vsel vm4, v19, v23;
	v15 =	vsel vm3, v27, v28  }
0x17a: {  	v19 =	vsel vm3, v54, v57;
	v2 =	vsel vm3, v2, v5;
	v5 =	vsel vm3, v10, v12;
	v10 =	vld [tilespmem:s0+$0x0]  }
0x17b: {  	v6 =	vsel vm2, v14, v15;
	v11 =	vsel vm2, v18, v19;
	v2 =	vsel vm2, v2, v5  }
0x17c: {  	v1 =	vsel vm0, v3, v4;
	v3 =	vsel vm0, v6, v9;
	v2 =	vsel vm0, v11, v2  }
0x17d: {  	v0 =	vsel vm1, v0, v1;
	vm0 =	veq.s32 v8, $0x0;
	v1 =	vsel vm1, v3, v2  }
0x17e: {  	s18 =	simm.s32 $0x10;
	s14 =	simm.s32 $0x80;
	v0 =	vsel vm0, v0, v1;
	vm0 =	veq.s32 v7, v59  }
0x17f: {  	s19 =	sand.u32 $0x70, s18;
	s3 =	simm.s32 $0x10A00;
	s31 =	sand.u32 $0xC00, s14;
	v0 =	vsel vm0, v10, v0  }
0x180: {  	s7 =	sor.u32 s19, s31;
	[tilespmem:s3+$0x0] =	vst v0  }
0x181: {  	v0 =	vld [tilespmem:s7+$0x8000]  }
0x182: {  	v1 =	vld [tilespmem:s7+$0x8080]  }
0x183: {  	v2 =	vld [tilespmem:s7+$0x8100]  }
0x184: {  	v3 =	vld [tilespmem:s7+$0x8180]  }
0x185: {  	v6 =	vld [tilespmem:s7+$0x8200]  }
0x186: {  	s9 =	sor.u32 s14, s18;
	v7 =	vld [tilespmem:s7+$0x8280]  }
0x187: {  	s9 =	sor.u32 $0x380, s9;
	v8 =	vld [tilespmem:s7+$0x8300]  }
0x188: {  	v10 =	vld [tilespmem:s9+$0x8000]  }
0x189: {  	v11 =	vld [tilespmem:s7+$0x9000]  }
0x18a: {  	v12 =	vld [tilespmem:s7+$0x9080]  }
0x18b: {  	v13 =	vld [tilespmem:s7+$0x9100]  }
0x18c: {  	v14 =	vld [tilespmem:s7+$0x9180]  }
0x18d: {  	v15 =	vld [tilespmem:s7+$0x9200]  }
0x18e: {  	v16 =	vld [tilespmem:s7+$0x9280]  }
0x18f: {  	v17 =	vld [tilespmem:s7+$0x9300]  }
0x190: {  	v18 =	vld [tilespmem:s7+$0x9380]  }
0x191: {  	v19 =	vld [tilespmem:s7+$0xA000]  }
0x192: {  	v20 =	vld [tilespmem:s7+$0xA080]  }
0x193: {  	v21 =	vld [tilespmem:s7+$0xA100]  }
0x194: {  	v22 =	vld [tilespmem:s7+$0xA180]  }
0x195: {  	v23 =	vld [tilespmem:s7+$0xA200]  }
0x196: {  	v24 =	vld [tilespmem:s7+$0xA280]  }
0x197: {  	v25 =	vld [tilespmem:s7+$0xA300]  }
0x198: {  	v26 =	vld [tilespmem:s7+$0xA380]  }
0x199: {  	v27 =	vld [tilespmem:s7+$0xB000]  }
0x19a: {  	v28 =	vld [tilespmem:s7+$0xB080]  }
0x19b: {  	v29 =	vld [tilespmem:s7+$0xB100]  }
0x19c: {  	v30 =	vld [tilespmem:s7+$0xB180]  }
0x19d: {  	v31 =	vld [tilespmem:s7+$0xB200]  }
0x19e: {  	v32 =	vld [tilespmem:s7+$0xB280]  }
0x19f: {  	v33 =	vld [tilespmem:s7+$0xB300]  }
0x1a0: {  	v34 =	vld [tilespmem:s7+$0xB380]  }
0x1a1: {  	v35 =	vld [tilespmem:s7+$0xC000]  }
0x1a2: {  	v36 =	vld [tilespmem:s7+$0xC080]  }
0x1a3: {  	v37 =	vld [tilespmem:s7+$0xC100]  }
0x1a4: {  	v38 =	vld [tilespmem:s7+$0xC180]  }
0x1a5: {  	v39 =	vld [tilespmem:s7+$0xC200]  }
0x1a6: {  	v40 =	vld [tilespmem:s7+$0xC280]  }
0x1a7: {  	v41 =	vld [tilespmem:s7+$0xC300]  }
0x1a8: {  	v42 =	vld [tilespmem:s7+$0xC380]  }
0x1a9: {  	v43 =	vld [tilespmem:s7+$0xD000]  }
0x1aa: {  	v44 =	vld [tilespmem:s7+$0xD080]  }
0x1ab: {  	v45 =	vld [tilespmem:s7+$0xD100]  }
0x1ac: {  	v46 =	vld [tilespmem:s7+$0xD180]  }
0x1ad: {  	s18 =	simm.s32 $0x10210;
	v47 =	vld [tilespmem:s7+$0xD200]  }
0x1ae: {  	v4 =	vld [tilespmem:s18+$0x0]  }
0x1af: {  	v48 =	vld [tilespmem:s7+$0xD280]  }
0x1b0: {  	v49 =	vld [tilespmem:s7+$0xD300]  }
0x1b1: {  	v50 =	vld [tilespmem:s7+$0xD380]  }
0x1b2: {  	v51 =	vld [tilespmem:s7+$0xE000]  }
0x1b3: {  	v52 =	vld [tilespmem:s7+$0xE080];
	v53 =	vsub.s32 v60, v4  }
0x1b4: {  	v61 =	vld [tilespmem:s7+$0xE180];
	v4 =	vand.u32 $0x8, v53  }
0x1b5: {  	v62 =	vld [tilespmem:s7+$0xE200];
	v5 =	vand.u32 $0x10, v53;
	vm1 =	veq.s32 v4, $0x0  }
0x1b6: {  	v63 =	vld [tilespmem:s7+$0xE280];
	v4 =	vand.u32 $0x2, v53;
	vm0 =	veq.s32 v5, $0x0;
	v5 =	vand.u32 $0x1, v53  }
0x1b7: {  	v9 =	vld [tilespmem:s7+$0xE300];
	vm4 =	veq.s32 v5, $0x0;
	vm3 =	veq.s32 v4, $0x0;
	v4 =	vand.u32 $0x4, v53  }
0x1b8: {  	v60 =	vld [tilespmem:s7+$0xE100];
	vm2 =	veq.s32 v4, $0x0;
	v4 =	vsel vm4, v0, v1;
	v5 =	vsel vm4, v2, v3  }
0x1b9: {  	v6 =	vsel vm4, v6, v7;
	v7 =	vsel vm4, v8, v10;
	v8 =	vsel vm4, v11, v12;
	v10 =	vld [tilespmem:s7+$0xE380]  }
0x1ba: {  	v12 =	vsel vm4, v13, v14;
	v13 =	vsel vm4, v15, v16;
	v14 =	vsel vm4, v17, v18;
	v11 =	vld [tilespmem:s7+$0xF000]  }
0x1bb: {  	v15 =	vsel vm4, v19, v20;
	v17 =	vsel vm4, v21, v22;
	v18 =	vsel vm4, v23, v24;
	v16 =	vld [tilespmem:s7+$0xF080]  }
0x1bc: {  	v19 =	vsel vm4, v25, v26;
	v20 =	vsel vm4, v27, v28;
	v22 =	vsel vm4, v29, v30;
	v21 =	vld [tilespmem:s7+$0xF100]  }
0x1bd: {  	v23 =	vsel vm4, v31, v32;
	v24 =	vsel vm4, v33, v34;
	v25 =	vsel vm4, v35, v36;
	v28 =	vld [tilespmem:s7+$0xF180]  }
0x1be: {  	v26 =	vsel vm4, v37, v38;
	v27 =	vsel vm4, v39, v40;
	v29 =	vsel vm4, v41, v42;
	v33 =	vld [tilespmem:s7+$0xF200]  }
0x1bf: {  	v30 =	vsel vm4, v43, v44;
	v31 =	vsel vm4, v45, v46;
	v32 =	vsel vm4, v47, v48;
	v38 =	vld [tilespmem:s7+$0xF280]  }
0x1c0: {  	v34 =	vsel vm4, v49, v50;
	v35 =	vsel vm4, v51, v52;
	v39 =	vld [tilespmem:s7+$0xF300];
	v41 =	vand.u32 $0x3F, v53  }
0x1c1: {  	v3 =	vand.u32 $0x20, v53;
	v37 =	vsel vm4, v62, v63;
	v40 =	vld [tilespmem:s7+$0xF380];
	s7 =	simm.s32 $0x20;
	v36 =	vsel vm4, v60, v61  }
.LBB2_5:
0x1c2: {  	v4 =	vsel vm3, v4, v5;
	v5 =	vsel vm3, v6, v7;
	v6 =	vsel vm3, v8, v12  }
0x1c3: {  	v7 =	vsel vm3, v13, v14;
	v8 =	vsel vm3, v15, v17;
	v12 =	vsel vm3, v18, v19  }
0x1c4: {  	v13 =	vsel vm3, v20, v22;
	v14 =	vsel vm3, v23, v24;
	v15 =	vsel vm3, v25, v26  }
0x1c5: {  	v17 =	vsel vm3, v30, v31;
	v18 =	vsel vm3, v32, v34;
	v19 =	vsel vm3, v35, v36  }
0x1c6: {  	v4 =	vsel vm2, v4, v5;
	v5 =	vsel vm2, v6, v7;
	v6 =	vsel vm2, v8, v12  }
0x1c7: {  	v7 =	vsel vm2, v13, v14;
	v4 =	vsel vm1, v4, v5;
	v0 =	vsel vm4, v9, v10  }
0x1c8: {  	v1 =	vsel vm4, v11, v16;
	v9 =	vsel vm4, v21, v28;
	v10 =	vsel vm4, v33, v38  }
0x1c9: {  	v11 =	vsel vm4, v39, v40;
	v16 =	vsel vm3, v27, v29;
	v0 =	vsel vm3, v37, v0  }
0x1ca: {  	v1 =	vsel vm3, v1, v9;
	v9 =	vsel vm3, v10, v11;
	v8 =	vsel vm2, v15, v16  }
0x1cb: {  	v10 =	vsel vm2, v17, v18;
	v0 =	vsel vm2, v19, v0;
	v1 =	vsel vm2, v1, v9  }
0x1cc: {  	v5 =	vsel vm1, v6, v7;
	v6 =	vsel vm1, v8, v10;
	v0 =	vsel vm1, v0, v1  }
0x1cd: {  	v1 =	vsel vm0, v4, v5;
	v0 =	vsel vm0, v6, v0;
	vm0 =	veq.s32 v3, $0x0  }
0x1ce: {  	s0 =	sadd.s32 $0x10, s0;
	v0 =	vsel vm0, v1, v0;
	v1 =	vld [tilespmem:$0x1FFE0]  }
0x1cf: {  	v11 =	vld [tilespmem:s0+$0x0];
	_ =	sdelay $0x3  }
0x1d0: {  	s14 =	sadd.s32 $0x80, s14;
	vm0 =	veq.s32 v41, v1  }
0x1d1: {  	s9 =	sand.u32 $0x70, s7;
	s3 =	sadd.s32 $0x10, s3;
	s10 =	sand.u32 $0xC00, s14;
	v0 =	vsel vm0, v11, v0  }
0x1d2: {  	s9 =	sor.u32 s9, s10;
	[tilespmem:s3+$0x0] =	vst v0  }
0x1d3: {  	v0 =	vld [tilespmem:s9+$0x8000]  }
0x1d4: {  	v4 =	vld [tilespmem:s9+$0x8080]  }
0x1d5: {  	v6 =	vld [tilespmem:s9+$0x8100]  }
0x1d6: {  	v5 =	vld [tilespmem:s9+$0x8180]  }
0x1d7: {  	v8 =	vld [tilespmem:s9+$0x8200]  }
0x1d8: {  	s31 =	sor.u32 s14, s7;
	v28 =	vld [tilespmem:s9+$0x8280]  }
0x1d9: {  	s10 =	sor.u32 $0x380, s31;
	v7 =	vld [tilespmem:s9+$0x8300]  }
0x1da: {  	v12 =	vld [tilespmem:s10+$0x8000]  }
0x1db: {  	v13 =	vld [tilespmem:s9+$0x9000]  }
0x1dc: {  	v14 =	vld [tilespmem:s9+$0x9080]  }
0x1dd: {  	v15 =	vld [tilespmem:s9+$0x9100]  }
0x1de: {  	v17 =	vld [tilespmem:s9+$0x9180]  }
0x1df: {  	v18 =	vld [tilespmem:s9+$0x9200]  }
0x1e0: {  	v19 =	vld [tilespmem:s9+$0x9280]  }
0x1e1: {  	v20 =	vld [tilespmem:s9+$0x9300]  }
0x1e2: {  	v22 =	vld [tilespmem:s9+$0x9380]  }
0x1e3: {  	v23 =	vld [tilespmem:s9+$0xA000]  }
0x1e4: {  	v24 =	vld [tilespmem:s9+$0xA080]  }
0x1e5: {  	v25 =	vld [tilespmem:s9+$0xA100]  }
0x1e6: {  	v26 =	vld [tilespmem:s9+$0xA180]  }
0x1e7: {  	v27 =	vld [tilespmem:s9+$0xA200]  }
0x1e8: {  	v29 =	vld [tilespmem:s9+$0xA280]  }
0x1e9: {  	v30 =	vld [tilespmem:s9+$0xA300]  }
0x1ea: {  	v31 =	vld [tilespmem:s9+$0xA380]  }
0x1eb: {  	v32 =	vld [tilespmem:s9+$0xB000]  }
0x1ec: {  	v34 =	vld [tilespmem:s9+$0xB080]  }
0x1ed: {  	v35 =	vld [tilespmem:s9+$0xB100]  }
0x1ee: {  	v36 =	vld [tilespmem:s9+$0xB180]  }
0x1ef: {  	v37 =	vld [tilespmem:s9+$0xB200]  }
0x1f0: {  	v40 =	vld [tilespmem:s9+$0xB280]  }
0x1f1: {  	v1 =	vld [tilespmem:s9+$0xB300]  }
0x1f2: {  	v42 =	vld [tilespmem:s9+$0xB380]  }
0x1f3: {  	v43 =	vld [tilespmem:s9+$0xC000]  }
0x1f4: {  	v44 =	vld [tilespmem:s9+$0xC080]  }
0x1f5: {  	v45 =	vld [tilespmem:s9+$0xC100]  }
0x1f6: {  	v46 =	vld [tilespmem:s9+$0xC180]  }
0x1f7: {  	v47 =	vld [tilespmem:s9+$0xC200]  }
0x1f8: {  	v48 =	vld [tilespmem:s9+$0xC280]  }
0x1f9: {  	v49 =	vld [tilespmem:s9+$0xC300]  }
0x1fa: {  	v50 =	vld [tilespmem:s9+$0xC380]  }
0x1fb: {  	v51 =	vld [tilespmem:s9+$0xD000]  }
0x1fc: {  	v52 =	vld [tilespmem:s9+$0xD080]  }
0x1fd: {  	v53 =	vld [tilespmem:s9+$0xD100]  }
0x1fe: {  	v54 =	vld [tilespmem:s9+$0xD180]  }
0x1ff: {  	v55 =	vld [tilespmem:s9+$0xD200]  }
0x200: {  	v56 =	vld [tilespmem:s9+$0xD280]  }
0x201: {  	s18 =	sadd.s32 $0x10, s18;
	v57 =	vld [tilespmem:s9+$0xD300]  }
0x202: {  	v2 =	vld [tilespmem:s18+$0x0]  }
0x203: {  	[tilespmem:$0x1FFC0] =	vst v0;
	v0 =	vld [tilespmem:$0x1FFF0]  }
0x204: {  	v58 =	vld [tilespmem:s9+$0xD380]  }
0x205: {  	v59 =	vld [tilespmem:s9+$0xE000]  }
0x206: {  	v60 =	vld [tilespmem:s9+$0xE080]  }
0x207: {  	v61 =	vld [tilespmem:s9+$0xE100]  }
0x208: {  	v62 =	vld [tilespmem:s9+$0xE180];
	v16 =	vsub.s32 v0, v2  }
0x209: {  	v63 =	vld [tilespmem:s9+$0xE200];
	v41 =	vand.u32 $0x3F, v16;
	v21 =	vand.u32 $0x10, v16;
	v3 =	vand.u32 $0x20, v16  }
0x20a: {  	v9 =	vld [tilespmem:s9+$0xE300];
	v33 =	vand.u32 $0x2, v16;
	v38 =	vand.u32 $0x4, v16;
	v39 =	vand.u32 $0x8, v16  }
0x20b: {  	v10 =	vld [tilespmem:s9+$0xE380];
	v2 =	vand.u32 $0x1, v16;
	vm1 =	veq.s32 v39, $0x0;
	vm0 =	veq.s32 v21, $0x0  }
0x20c: {  	v11 =	vld [tilespmem:s9+$0xF000];
	vm4 =	veq.s32 v2, $0x0;
	vm3 =	veq.s32 v33, $0x0;
	vm2 =	veq.s32 v38, $0x0  }
0x20d: {  	v0 =	vld [tilespmem:s9+$0xE280];
	v5 =	vsel vm4, v6, v5;
	v6 =	vsel vm4, v8, v28;
	v7 =	vsel vm4, v7, v12  }
0x20e: {  	v16 =	vld [tilespmem:s9+$0xF080];
	v8 =	vsel vm4, v13, v14;
	v12 =	vsel vm4, v15, v17;
	v13 =	vsel vm4, v18, v19  }
0x20f: {  	v21 =	vld [tilespmem:s9+$0xF100];
	v14 =	vsel vm4, v20, v22;
	v15 =	vsel vm4, v23, v24;
	v17 =	vsel vm4, v25, v26  }
0x210: {  	p0 =	sne.s32 s7, $0x1F0;
	v2 =	vld [tilespmem:$0x1FFC0];
	v18 =	vsel vm4, v27, v29;
	v19 =	vsel vm4, v30, v31;
	v20 =	vsel vm4, v32, v34  }
.Ltmp1:
0x211: {  	v33 =	vld [tilespmem:s9+$0xF200];
	v22 =	vsel vm4, v35, v36;
	v23 =	vsel vm4, v37, v40;
	v24 =	vsel vm4, v1, v42;
	(pc) =	sbr.rel @p0 .LBB2_5-.Ltmp1, $4  }
0x212: {  	v38 =	vld [tilespmem:s9+$0xF280];
	v25 =	vsel vm4, v43, v44;
	v26 =	vsel vm4, v45, v46;
	v27 =	vsel vm4, v47, v48  }
0x213: {  	v39 =	vld [tilespmem:s9+$0xF300];
	v29 =	vsel vm4, v49, v50;
	v30 =	vsel vm4, v51, v52;
	v31 =	vsel vm4, v53, v54  }
0x214: {  	v28 =	vld [tilespmem:s9+$0xF180];
	v32 =	vsel vm4, v55, v56;
	v34 =	vsel vm4, v57, v58;
	v35 =	vsel vm4, v59, v60  }
0x215: {  	s7 =	sadd.s32 $0x10, s7;
	v40 =	vld [tilespmem:s9+$0xF380];
	v36 =	vsel vm4, v61, v62;
	v37 =	vsel vm4, v63, v0;
	v4 =	vsel vm4, v2, v4  }
0x216: {  	v0 =	vsel vm4, v9, v10;
	v1 =	vsel vm4, v11, v16;
	v4 =	vsel vm3, v4, v5  }
0x217: {  	v44 =	vsel vm3, v6, v7;
	v45 =	vsel vm3, v8, v12;
	v46 =	vsel vm3, v13, v14  }
0x218: {  	v47 =	vsel vm3, v15, v17;
	v48 =	vsel vm3, v18, v19;
	v49 =	vsel vm3, v20, v22  }
0x219: {  	v50 =	vsel vm3, v23, v24;
	v51 =	vsel vm3, v25, v26;
	v52 =	vsel vm3, v27, v29  }
0x21a: {  	v53 =	vsel vm3, v30, v31;
	v54 =	vsel vm3, v32, v34;
	v55 =	vsel vm3, v35, v36  }
0x21b: {  	v42 =	vsel vm4, v33, v38;
	v0 =	vsel vm3, v37, v0;
	v4 =	vsel vm2, v4, v44  }
0x21c: {  	v56 =	vsel vm2, v45, v46;
	v57 =	vsel vm2, v47, v48;
	v58 =	vsel vm2, v49, v50  }
0x21d: {  	v59 =	vsel vm2, v51, v52;
	v2 =	vsel vm4, v21, v28;
	v43 =	vsel vm4, v39, v40  }
0x21e: {  	v60 =	vsel vm2, v53, v54;
	v1 =	vsel vm3, v1, v2;
	v2 =	vsel vm3, v42, v43  }
0x21f: {  	v0 =	vsel vm2, v55, v0;
	v62 =	vsel vm1, v57, v58;
	v1 =	vsel vm2, v1, v2  }
0x220: {  	v63 =	vsel vm1, v59, v60;
	v2 =	vsel vm1, v4, v56;
	v0 =	vsel vm1, v0, v1  }
0x221: {  	vm14 =	veq.s32 v3, $0x0;
	v1 =	vsel vm0, v2, v62;
	v0 =	vsel vm0, v63, v0  }
0x222: {  	s0 =	sadd.s32 $0x10, s0;
	v0 =	vsel vm14, v1, v0;
	v1 =	vld [tilespmem:$0x1FFE0]  }
0x223: {  	v61 =	vld [tilespmem:s0+$0x0]  }
0x224: {  	s29 =	sadd.s32 $0x1, s29  }
0x225: {  	p0 =	sne.s32 s29, $0x12  }
.Ltmp2:
0x226: {  	_ = 	snop;
	(pc) =	sbr.rel @p0 .LBB2_2-.Ltmp2, $4  }
0x227: {  	vm15 =	veq.s32 v41, v1  }
0x228: {  	s19 =	sadd.s32 $0x10, s3;
	v0 =	vsel vm15, v61, v0  }
0x229: {  	s31 =	sadd.s32 s8, s30;
	[tilespmem:s19+$0x0] =	vst v0  }
0x22a: {  	v0 =	vld [tilespmem:$0x1FFF0];
	[hbm4b:s31+s5] =	stream.linear.scatter [tilespmem:s25], [sflag:$0x2], $0x200, $0x38  }
0x22b: {  	s28 =	sadd.s32 $0x1, s28  }
0x22c: {  	_ =	swait.ge [sflag:s26], $0x200;
	p0 =	sne.s32 s28, s13  }
.Ltmp3:
0x22d: {  	[sflag:s26] =	ssyncset.done $0x0;
	(pc) =	sbr.rel @p0 .LBB2_1-.Ltmp3, $4  }
0x22e: {  	[sflag:s26] =	ssyncadd.s32 $0xFFFFFE00  }
0x22f: {  	_ =	swait.ge [sflag:s26], $0x200  }
0x230: {  	[sflag:s26] =	ssyncset.done $0x0  }
0x231: {  	[sflag:s26] =	ssyncadd.s32 $0xFFFFFE00  }
0x232: {  	_ =	sfence.sel $0x180000  }
0x233: {  	[bflag:$0x0] =	sbarrier.arrive $0xFFFF  }
0x234: {  	_ =	strace $0x90000047  }
0x235: {  	s0 =	stileid.u32;
	[bflag:$0x2] =	sbarrier.arrive $0xFFFF  }
0x236: {  	p0 =	sne.s32 s0, $0x0;
	s0 =	rddreg [dreg:$0x4]  }
0x237: {  	s0 =	sadd.s32 @!p0 $0x100000, s0  }
0x238: {  	[sflag:s0] =	ssyncadd.tile.s32 @!p0 $0x1;
	_ =	shalt  }
.Lfunc_end2:
_tile_overlayer_lowered:
.L_overlay_start_2:
0x239: {  	(tag) =	ssettag $0x2  }
0x23a: {  	s0 =	rddreg [dreg:$0x0];
	s2 =	stileid.u32  }
0x23b: {  	s1 =	rddreg [dreg:$0x1];
	p0 =	sne.s32 s2, $0x0  }
0x23c: {  	s3 =	rddreg [dreg:$0x2];
	[bflag:$0x3] =	sbarrier.arrive $0xFFFF;
	s2 =	simm.s32 @!p0 $0x1C03  }
0x23d: {  	[timem:s3], [sflag:s2] =	dma.local @!p0 [hbm:s0], s1  }
0x23e: {  	s0 =	simm.s32 @!p0 $0x3  }
0x23f: {  	_ =	swait.ge @!p0 [sflag:s0], s1  }
0x240: {  	s1 =	ssub.s32 @!p0 $0x0, s1;
	[sflag:s0] =	ssyncset.done @!p0 $0x0  }
0x241: {  	[sflag:s0] =	ssyncadd.s32 @!p0 s1  }
0x242: {  	[bflag:$0x3] =	sbarrier.arrive $0xFFFF  }
0x243: {  	_ =	shalt  }

</sc_bundles>
